<compile_context>
chip_gen: v7x
topology: tpu7x:2x2x1
jax: 0.10.2.dev20260603
libtpu: 0.0.44.dev20260713+nightly
codegen_flags: <defaults>
</compile_context>

<pallas_src>
import functools

import jax
import jax.numpy as jnp
from jax import lax
from jax.experimental import pallas as pl
from jax.experimental.pallas import tpu as pltpu
from jax.experimental.pallas import tpu_sc as plsc

_LANES = 128


def _shift_down_rows(p, sh):
    z = jnp.zeros((sh,) + p.shape[1:], p.dtype)
    return jnp.concatenate([z, p[:-sh]], axis=0)


def _bag_ids_body(ind_ref, out_ref):
    x = ind_ref[...]
    r = x.shape[0]
    p = x
    sh = 1
    while sh < _LANES:
        z = jnp.zeros((p.shape[0], sh), p.dtype)
        p = p + jnp.concatenate([z, p[:, :-sh]], axis=1)
        sh *= 2
    rowtot = p[:, _LANES - 1:]
    p2 = rowtot
    sh = 1
    while sh < r:
        p2 = p2 + _shift_down_rows(p2, sh)
        sh *= 2
    out_ref[...] = p + (p2 - rowtot) - 1


def _transpose_pack_body(a_ref, b_ref, out_ref):
    out_ref[...] = jnp.concatenate([a_ref[...].T, b_ref[...].T], axis=1)


def _mlp_body(pe_ref, po_ref, cnt_ref, w1_ref, b1_ref, w2_ref, b2_ref, out_ref):
    sums = pe_ref[0] + pe_ref[1] + po_ref[0] + po_ref[1]
    emb = sums / jnp.maximum(cnt_ref[...], 1.0)
    h = jnp.dot(emb, w1_ref[...], preferred_element_type=jnp.float32)
    h = jnp.maximum(h + b1_ref[...], 0.0)
    out = jnp.dot(h, w2_ref[...], preferred_element_type=jnp.float32)
    out_ref[...] = out + b2_ref[...]


def kernel(ids, offsets, table, W1, b1, W2, b2):
    n = ids.shape[0]
    batch = offsets.shape[0]
    emb_dim = table.shape[1]
    hidden = W1.shape[0]
    ncls = W2.shape[0]

    ind = jnp.zeros((n,), jnp.int32).at[offsets].add(1, mode="drop")
    rows_2d = n // _LANES
    bag2d = pl.pallas_call(
        _bag_ids_body,
        out_shape=jax.ShapeDtypeStruct((rows_2d, _LANES), jnp.int32),
    )(ind.reshape(rows_2d, _LANES))

    next_off = jnp.concatenate([offsets[1:], jnp.array([n], dtype=offsets.dtype)])
    counts = (next_off - offsets).astype(jnp.float32)

    info = plsc.get_sparse_core_info()
    NC, NS = info.num_cores, info.num_subcores
    NW = NC * NS
    per_w = n // NW
    CH = 128
    steps = per_w // CH
    assert per_w * NW == n and steps * CH == per_w and steps % 2 == 0
    rows_per_tile = 2 * batch // NS

    TB = 8192
    vocab = table.shape[0]
    maxblk = (vocab - 1) // TB
    nblk = vocab // 2 // TB + 1
    H = nblk * TB
    tT = table.T
    table128 = pl.pallas_call(
        _transpose_pack_body,
        grid=(nblk,),
        in_specs=[
            pl.BlockSpec((emb_dim, TB), lambda i: (0, i)),
            pl.BlockSpec((emb_dim, TB),
                         lambda i: (0, jnp.minimum(i + nblk, maxblk))),
        ],
        out_specs=pl.BlockSpec((TB, _LANES), lambda i: (i, 0)),
        out_shape=jax.ShapeDtypeStruct((H, _LANES), jnp.float32),
    )(tT, tT)
    zeros = jnp.zeros((2 * batch, _LANES), jnp.float32)
    hi = (ids >= H).astype(jnp.int32)
    ids3d = (ids - H * hi).reshape(NW, steps, CH)
    bags3d = (bag2d.reshape(-1) * 2 + hi).reshape(NW, steps, CH)
    mesh = plsc.VectorSubcoreMesh(core_axis_name="c", subcore_axis_name="s")

    @functools.partial(
        pl.kernel,
        mesh=mesh,
        out_type=jax.ShapeDtypeStruct((NC, 2 * batch, _LANES), jnp.float32),
        scratch_types=[
            pltpu.VMEM((steps, CH), jnp.int32),
            pltpu.VMEM((steps, CH), jnp.int32),
            pltpu.VMEM((CH, _LANES), jnp.float32),
            pltpu.VMEM((CH, _LANES), jnp.float32),
            pltpu.VMEM((16, _LANES), jnp.float32),
            pltpu.VMEM((16,), jnp.int32),
            pltpu.VMEM_SHARED((2 * batch, _LANES), jnp.float32),
            pltpu.SemaphoreType.DMA,
            pltpu.SemaphoreType.DMA,
        ],
    )
    def segsum(ids_hbm, bags_hbm, tab_hbm, zeros_hbm, out_hbm,
               idx_v, bag_v, rows0, rows1, sumbuf, idx16, acc, sem0, sem1):
        cid = lax.axis_index("c")
        sid = lax.axis_index("s")
        wid = cid * NS + sid
        pltpu.sync_copy(ids_hbm.at[wid], idx_v)
        pltpu.sync_copy(bags_hbm.at[wid], bag_v)
        pltpu.sync_copy(zeros_hbm.at[pl.ds(sid * rows_per_tile, rows_per_tile)],
                        acc.at[pl.ds(sid * rows_per_tile, rows_per_tile)])
        pltpu.sync_copy(zeros_hbm.at[pl.ds(0, 16)], sumbuf)
        plsc.subcore_barrier()

        nlane = _LANES // 16

        def scatter_chunk(rbuf, k):
            bag_row = bag_v.at[k]
            v0 = bag_row[pl.ds(0, 16)]
            vL = bag_row[pl.ds(CH - 16, 16)]
            single = v0[0] == vL[15]

            @pl.when(single)
            def _():
                def rbody(r, accs):
                    row = rbuf.at[r]
                    return tuple(a + row[pl.ds(16 * c, 16)]
                                 for c, a in enumerate(accs))
                accs = lax.fori_loop(
                    0, CH, rbody,
                    tuple(jnp.zeros((16,), jnp.float32) for _ in range(nlane)))
                for c in range(nlane):
                    sumbuf[0, pl.ds(16 * c, 16)] = accs[c]
                idx16[...] = bag_row[pl.ds(0, 16)]
                pltpu.sync_copy(sumbuf, acc.at[idx16], add=True)

            @pl.when(jnp.logical_not(single))
            def _():
                pltpu.sync_copy(rbuf, acc.at[bag_v.at[k]], add=True)

        pltpu.async_copy(tab_hbm.at[idx_v.at[0]], rows0, sem0)

        def pair_body(j, carry):
            k0 = 2 * j
            pltpu.async_copy(tab_hbm.at[idx_v.at[k0 + 1]], rows1, sem1)
            pltpu.make_async_copy(tab_hbm.at[idx_v.at[k0]], rows0, sem0).wait()
            scatter_chunk(rows0, k0)
            k2 = jnp.minimum(k0 + 2, steps - 1)
            pltpu.async_copy(tab_hbm.at[idx_v.at[k2]], rows0, sem0)
            pltpu.make_async_copy(tab_hbm.at[idx_v.at[k0 + 1]], rows1, sem1).wait()
            scatter_chunk(rows1, k0 + 1)
            return carry

        lax.fori_loop(0, steps // 2, pair_body, 0)
        pltpu.make_async_copy(tab_hbm.at[idx_v.at[0]], rows0, sem0).wait()
        plsc.subcore_barrier()
        pltpu.sync_copy(acc.at[pl.ds(sid * rows_per_tile, rows_per_tile)],
                        out_hbm.at[cid, pl.ds(sid * rows_per_tile, rows_per_tile)])

    partials = segsum(ids3d, bags3d, table128, zeros)
    pe = partials[:, 0::2, :emb_dim]
    po = partials[:, 1::2, emb_dim:]

    BB = 512
    out = pl.pallas_call(
        _mlp_body,
        grid=(batch // BB,),
        in_specs=[
            pl.BlockSpec((NC, BB, emb_dim), lambda i: (0, i, 0)),
            pl.BlockSpec((NC, BB, emb_dim), lambda i: (0, i, 0)),
            pl.BlockSpec((BB, 1), lambda i: (i, 0)),
            pl.BlockSpec((emb_dim, hidden), lambda i: (0, 0)),
            pl.BlockSpec((1, hidden), lambda i: (0, 0)),
            pl.BlockSpec((hidden, ncls), lambda i: (0, 0)),
            pl.BlockSpec((1, ncls), lambda i: (0, 0)),
        ],
        out_specs=pl.BlockSpec((BB, ncls), lambda i: (i, 0)),
        out_shape=jax.ShapeDtypeStruct((batch, ncls), jnp.float32),
    )(pe, po, counts[:, None], W1.T, b1[None, :], W2.T, b2[None, :])
    return out

# --- scband reference (transcript-rebuilt; emitter-appended) ---
"""Pipeline reference for scband-emb-bag-mlp-25271587570040 (READ-ONLY COPY).

The authoritative reference and input builder live on the scoring server;
editing this copy changes nothing except your own understanding.
"""

import jax, jax.numpy as jnp
import numpy as np

VOCAB = 1000000
EMB_DIM = 64
HIDDEN = 256
NUM_CLASSES = 4
N_IDS = 204800
BATCH = 4096


def setup_inputs(seed: int = 0) -> dict:
    key = jax.random.key(seed)
    k_ids, k_tab, k_w1, k_b1, k_w2, k_b2 = jax.random.split(key, 6)
    ids = jax.random.randint(k_ids, (N_IDS,), 0, VOCAB, dtype=jnp.int64 if jax.config.jax_enable_x64 else jnp.int32).astype(jnp.int32)
    offsets = jnp.arange(BATCH, dtype=jnp.int32)
    table = jax.random.normal(k_tab, (VOCAB + 1, EMB_DIM), dtype=jnp.float32)
    # nn.Linear default init: U(-1/sqrt(fan_in), 1/sqrt(fan_in))
    b1lim = 1.0 / np.sqrt(EMB_DIM)
    W1 = jax.random.uniform(k_w1, (HIDDEN, EMB_DIM), minval=-b1lim, maxval=b1lim, dtype=jnp.float32)
    b1 = jax.random.uniform(k_b1, (HIDDEN,), minval=-b1lim, maxval=b1lim, dtype=jnp.float32)
    b2lim = 1.0 / np.sqrt(HIDDEN)
    W2 = jax.random.uniform(k_w2, (NUM_CLASSES, HIDDEN), minval=-b2lim, maxval=b2lim, dtype=jnp.float32)
    b2 = jax.random.uniform(k_b2, (NUM_CLASSES,), minval=-b2lim, maxval=b2lim, dtype=jnp.float32)
    return {"ids": ids, "offsets": offsets, "table": table, "W1": W1, "b1": b1, "W2": W2, "b2": b2}


def reference(ids, offsets, table, W1, b1, W2, b2):
    n = ids.shape[0]
    # map each id position to its bag via offsets (EmbeddingBag semantics)
    bag_ids = jnp.searchsorted(offsets, jnp.arange(n, dtype=offsets.dtype), side="right") - 1
    rows = jnp.take(table, ids, axis=0)  # gather [N_IDS, EMB_DIM]
    sums = jax.ops.segment_sum(rows, bag_ids, num_segments=BATCH)
    counts = jax.ops.segment_sum(jnp.ones((n,), dtype=jnp.float32), bag_ids, num_segments=BATCH)
    emb = sums / jnp.maximum(counts, 1.0)[:, None]  # mean mode; empty bags -> zeros
    h = jnp.maximum(emb @ W1.T + b1, 0.0)
    # Dropout(0.2) is identity in eval mode
    out = h @ W2.T + b2
    return out

if __name__ == "__main__":
    import jax
    _d = setup_inputs()
    print(jax.jit(kernel)(*tuple(_d.values())))

</pallas_src>

<mosaic_0001>
#map = affine_map<(d0, d1) -> (0, 0, 0)>
#map1 = affine_map<(d0, d1) -> (0, 0)>
module attributes {stable_mosaic.version = 14 : i64} {
  func.func @segsum(%arg0: i32, %arg1: i32, %arg2: memref<32x50x128xi32, #tpu.memory_space<hbm>>, %arg3: memref<32x50x128xi32, #tpu.memory_space<hbm>>, %arg4: memref<507904x128xf32, #tpu.memory_space<hbm>>, %arg5: memref<8192x128xf32, #tpu.memory_space<hbm>>, %arg6: memref<2x8192x128xf32, #tpu.memory_space<hbm>>, %arg7: memref<50x128xi32, #tpu.memory_space<vmem>>, %arg8: memref<50x128xi32, #tpu.memory_space<vmem>>, %arg9: memref<128x128xf32, #tpu.memory_space<vmem>>, %arg10: memref<128x128xf32, #tpu.memory_space<vmem>>, %arg11: memref<16x128xf32, #tpu.memory_space<vmem>>, %arg12: memref<16xi32, #tpu.memory_space<vmem>>, %arg13: memref<8192x128xf32, #tpu.memory_space<vmem_shared>>, %arg14: memref<!tpu.dma_semaphore, #tpu.memory_space<semaphore_mem>>, %arg15: memref<!tpu.dma_semaphore, #tpu.memory_space<semaphore_mem>>) attributes {dimension_semantics = [#tpu.dimension_semantics<core_parallel>, #tpu.dimension_semantics<subcore_parallel>], iteration_bounds = array<i64: 2, 16>, scalar_prefetch = 0 : i64, scratch_operands = 9 : i64, tpu.core_type = #tpu.core_type<sc_vector_subcore>, window_params = [{transform_indices = #map}, {transform_indices = #map}, {transform_indices = #map1}, {transform_indices = #map1}, {transform_indices = #map}]} {
    %mul3A = arith.constant 16 : i32
    %mul3A_0 = arith.muli %arg0, %mul3A : i32
    %add3A = arith.addi %mul3A_0, %arg1 : i32
    "tpu.region"() ({
      %run_scoped3A = tpu.sem_alloc : memref<!tpu.dma_semaphore, #tpu.memory_space<semaphore_mem>>
      %dma_start3A_27 = arith.constant 0 : i32
      %dma_start3A_28 = arith.constant 0 : i32
      %dma_start3A_29 = tpu.memref_slice %arg2[%add3A, %dma_start3A_27, %dma_start3A_28] : memref<32x50x128xi32, #tpu.memory_space<hbm>> -> memref<1x50x128xi32, #tpu.memory_space<hbm>>
      %dma_start3A_30 = tpu.memref_squeeze %dma_start3A_29 : memref<1x50x128xi32, #tpu.memory_space<hbm>> -> memref<50x128xi32, #tpu.memory_space<hbm>>
      %dma_start3A_31 = arith.constant 0 : i32
      %dma_start3A_32 = arith.constant 0 : i32
      %dma_start3A_33 = tpu.memref_slice %arg2[%add3A, %dma_start3A_31, %dma_start3A_32] : memref<32x50x128xi32, #tpu.memory_space<hbm>> -> memref<1x50x128xi32, #tpu.memory_space<hbm>>
      %dma_start3A_34 = tpu.memref_squeeze %dma_start3A_33 : memref<1x50x128xi32, #tpu.memory_space<hbm>> -> memref<50x128xi32, #tpu.memory_space<hbm>>
      tpu.enqueue_dma source(%dma_start3A_34 : memref<50x128xi32, #tpu.memory_space<hbm>>) target(%arg7 : memref<50x128xi32, #tpu.memory_space<vmem>>) target_semaphore(%run_scoped3A : memref<!tpu.dma_semaphore, #tpu.memory_space<semaphore_mem>>)
      %dma_wait3A_35 = arith.constant 0 : i32
      %dma_wait3A_36 = arith.constant 0 : i32
      %dma_wait3A_37 = tpu.memref_slice %arg2[%add3A, %dma_wait3A_35, %dma_wait3A_36] : memref<32x50x128xi32, #tpu.memory_space<hbm>> -> memref<1x50x128xi32, #tpu.memory_space<hbm>>
      %dma_wait3A_38 = tpu.memref_squeeze %dma_wait3A_37 : memref<1x50x128xi32, #tpu.memory_space<hbm>> -> memref<50x128xi32, #tpu.memory_space<hbm>>
      %dma_wait3A_39 = arith.constant 0 : i32
      %dma_wait3A_40 = arith.constant 0 : i32
      %dma_wait3A_41 = tpu.memref_slice %arg2[%add3A, %dma_wait3A_39, %dma_wait3A_40] : memref<32x50x128xi32, #tpu.memory_space<hbm>> -> memref<1x50x128xi32, #tpu.memory_space<hbm>>
      %dma_wait3A_42 = tpu.memref_squeeze %dma_wait3A_41 : memref<1x50x128xi32, #tpu.memory_space<hbm>> -> memref<50x128xi32, #tpu.memory_space<hbm>>
      tpu.wait_dma2 semaphore(%run_scoped3A : memref<!tpu.dma_semaphore, #tpu.memory_space<semaphore_mem>>) src(%dma_wait3A_42 : memref<50x128xi32, #tpu.memory_space<hbm>>) dst(%arg7 : memref<50x128xi32, #tpu.memory_space<vmem>>)
      tpu.yield
    }) : () -> ()
    "tpu.region"() ({
      %run_scoped3A = tpu.sem_alloc : memref<!tpu.dma_semaphore, #tpu.memory_space<semaphore_mem>>
      %dma_start3A_27 = arith.constant 0 : i32
      %dma_start3A_28 = arith.constant 0 : i32
      %dma_start3A_29 = tpu.memref_slice %arg3[%add3A, %dma_start3A_27, %dma_start3A_28] : memref<32x50x128xi32, #tpu.memory_space<hbm>> -> memref<1x50x128xi32, #tpu.memory_space<hbm>>
      %dma_start3A_30 = tpu.memref_squeeze %dma_start3A_29 : memref<1x50x128xi32, #tpu.memory_space<hbm>> -> memref<50x128xi32, #tpu.memory_space<hbm>>
      %dma_start3A_31 = arith.constant 0 : i32
      %dma_start3A_32 = arith.constant 0 : i32
      %dma_start3A_33 = tpu.memref_slice %arg3[%add3A, %dma_start3A_31, %dma_start3A_32] : memref<32x50x128xi32, #tpu.memory_space<hbm>> -> memref<1x50x128xi32, #tpu.memory_space<hbm>>
      %dma_start3A_34 = tpu.memref_squeeze %dma_start3A_33 : memref<1x50x128xi32, #tpu.memory_space<hbm>> -> memref<50x128xi32, #tpu.memory_space<hbm>>
      tpu.enqueue_dma source(%dma_start3A_34 : memref<50x128xi32, #tpu.memory_space<hbm>>) target(%arg8 : memref<50x128xi32, #tpu.memory_space<vmem>>) target_semaphore(%run_scoped3A : memref<!tpu.dma_semaphore, #tpu.memory_space<semaphore_mem>>)
      %dma_wait3A_35 = arith.constant 0 : i32
      %dma_wait3A_36 = arith.constant 0 : i32
      %dma_wait3A_37 = tpu.memref_slice %arg3[%add3A, %dma_wait3A_35, %dma_wait3A_36] : memref<32x50x128xi32, #tpu.memory_space<hbm>> -> memref<1x50x128xi32, #tpu.memory_space<hbm>>
      %dma_wait3A_38 = tpu.memref_squeeze %dma_wait3A_37 : memref<1x50x128xi32, #tpu.memory_space<hbm>> -> memref<50x128xi32, #tpu.memory_space<hbm>>
      %dma_wait3A_39 = arith.constant 0 : i32
      %dma_wait3A_40 = arith.constant 0 : i32
      %dma_wait3A_41 = tpu.memref_slice %arg3[%add3A, %dma_wait3A_39, %dma_wait3A_40] : memref<32x50x128xi32, #tpu.memory_space<hbm>> -> memref<1x50x128xi32, #tpu.memory_space<hbm>>
      %dma_wait3A_42 = tpu.memref_squeeze %dma_wait3A_41 : memref<1x50x128xi32, #tpu.memory_space<hbm>> -> memref<50x128xi32, #tpu.memory_space<hbm>>
      tpu.wait_dma2 semaphore(%run_scoped3A : memref<!tpu.dma_semaphore, #tpu.memory_space<semaphore_mem>>) src(%dma_wait3A_42 : memref<50x128xi32, #tpu.memory_space<hbm>>) dst(%arg8 : memref<50x128xi32, #tpu.memory_space<vmem>>)
      tpu.yield
    }) : () -> ()
    %mul3A_1 = arith.constant 512 : i32
    %mul3A_2 = arith.muli %arg1, %mul3A_1 : i32
    %mul3A_3 = arith.constant 512 : i32
    %mul3A_4 = arith.muli %arg1, %mul3A_3 : i32
    "tpu.region"() ({
      %run_scoped3A = tpu.sem_alloc : memref<!tpu.dma_semaphore, #tpu.memory_space<semaphore_mem>>
      %dma_start3A_27 = arith.constant 0 : i32
      %dma_start3A_28 = tpu.memref_slice %arg13[%mul3A_4, %dma_start3A_27] : memref<8192x128xf32, #tpu.memory_space<vmem_shared>> -> memref<512x128xf32, #tpu.memory_space<vmem_shared>>
      %dma_start3A_29 = arith.constant 0 : i32
      %dma_start3A_30 = tpu.memref_slice %arg5[%mul3A_2, %dma_start3A_29] : memref<8192x128xf32, #tpu.memory_space<hbm>> -> memref<512x128xf32, #tpu.memory_space<hbm>>
      tpu.enqueue_dma source(%dma_start3A_30 : memref<512x128xf32, #tpu.memory_space<hbm>>) target(%dma_start3A_28 : memref<512x128xf32, #tpu.memory_space<vmem_shared>>) target_semaphore(%run_scoped3A : memref<!tpu.dma_semaphore, #tpu.memory_space<semaphore_mem>>)
      %dma_wait3A_31 = arith.constant 0 : i32
      %dma_wait3A_32 = tpu.memref_slice %arg13[%mul3A_4, %dma_wait3A_31] : memref<8192x128xf32, #tpu.memory_space<vmem_shared>> -> memref<512x128xf32, #tpu.memory_space<vmem_shared>>
      %dma_wait3A_33 = arith.constant 0 : i32
      %dma_wait3A_34 = tpu.memref_slice %arg5[%mul3A_2, %dma_wait3A_33] : memref<8192x128xf32, #tpu.memory_space<hbm>> -> memref<512x128xf32, #tpu.memory_space<hbm>>
      tpu.wait_dma2 semaphore(%run_scoped3A : memref<!tpu.dma_semaphore, #tpu.memory_space<semaphore_mem>>) src(%dma_wait3A_34 : memref<512x128xf32, #tpu.memory_space<hbm>>) dst(%dma_wait3A_32 : memref<512x128xf32, #tpu.memory_space<vmem_shared>>)
      tpu.yield
    }) : () -> ()
    "tpu.region"() ({
      %run_scoped3A = tpu.sem_alloc : memref<!tpu.dma_semaphore, #tpu.memory_space<semaphore_mem>>
      %dma_start3A_27 = arith.constant 0 : i32
      %dma_start3A_28 = arith.constant 0 : i32
      %dma_start3A_29 = tpu.memref_slice %arg5[%dma_start3A_27, %dma_start3A_28] : memref<8192x128xf32, #tpu.memory_space<hbm>> -> memref<16x128xf32, #tpu.memory_space<hbm>>
      %dma_start3A_30 = arith.constant 0 : i32
      %dma_start3A_31 = arith.constant 0 : i32
      %dma_start3A_32 = tpu.memref_slice %arg5[%dma_start3A_30, %dma_start3A_31] : memref<8192x128xf32, #tpu.memory_space<hbm>> -> memref<16x128xf32, #tpu.memory_space<hbm>>
      tpu.enqueue_dma source(%dma_start3A_32 : memref<16x128xf32, #tpu.memory_space<hbm>>) target(%arg11 : memref<16x128xf32, #tpu.memory_space<vmem>>) target_semaphore(%run_scoped3A : memref<!tpu.dma_semaphore, #tpu.memory_space<semaphore_mem>>)
      %dma_wait3A_33 = arith.constant 0 : i32
      %dma_wait3A_34 = arith.constant 0 : i32
      %dma_wait3A_35 = tpu.memref_slice %arg5[%dma_wait3A_33, %dma_wait3A_34] : memref<8192x128xf32, #tpu.memory_space<hbm>> -> memref<16x128xf32, #tpu.memory_space<hbm>>
      %dma_wait3A_36 = arith.constant 0 : i32
      %dma_wait3A_37 = arith.constant 0 : i32
      %dma_wait3A_38 = tpu.memref_slice %arg5[%dma_wait3A_36, %dma_wait3A_37] : memref<8192x128xf32, #tpu.memory_space<hbm>> -> memref<16x128xf32, #tpu.memory_space<hbm>>
      tpu.wait_dma2 semaphore(%run_scoped3A : memref<!tpu.dma_semaphore, #tpu.memory_space<semaphore_mem>>) src(%dma_wait3A_38 : memref<16x128xf32, #tpu.memory_space<hbm>>) dst(%arg11 : memref<16x128xf32, #tpu.memory_space<vmem>>)
      tpu.yield
    }) : () -> ()
    %barrier3A = arith.constant 0 : index
    tpu.barrier barrier_id(%barrier3A)
    %dma_start3A = arith.constant 0 : i32
    %dma_start3A_5 = arith.constant 0 : i32
    %dma_start3A_6 = tpu.memref_slice %arg7[%dma_start3A, %dma_start3A_5] : memref<50x128xi32, #tpu.memory_space<vmem>> -> memref<1x128xi32, #tpu.memory_space<vmem>>
    %dma_start3A_7 = tpu.memref_squeeze %dma_start3A_6 : memref<1x128xi32, #tpu.memory_space<vmem>> -> memref<128xi32, #tpu.memory_space<vmem>>
    %dma_start3A_8 = arith.constant 0 : i32
    %dma_start3A_9 = arith.constant 0 : i32
    %dma_start3A_10 = tpu.memref_slice %arg4[%dma_start3A_8, %dma_start3A_9] : memref<507904x128xf32, #tpu.memory_space<hbm>> -> memref<507904x128xf32, #tpu.memory_space<hbm>>
    tpu.enqueue_indirect_dma source(%dma_start3A_10 : memref<507904x128xf32, #tpu.memory_space<hbm>>) target(%arg9 : memref<128x128xf32, #tpu.memory_space<vmem>>) offsets(%dma_start3A_7 : memref<128xi32, #tpu.memory_space<vmem>>) semaphore(%arg14 : memref<!tpu.dma_semaphore, #tpu.memory_space<semaphore_mem>>)
    %scan3A = arith.constant 0 : i32
    %scan3A_11 = arith.constant 0 : i32
    %scan3A_12 = arith.constant 25 : i32
    %scan3A_13 = arith.addi %scan3A_11, %scan3A_12 : i32
    %scan3A_14 = arith.constant 1 : i32
    scf.for %scan3A_27 = %scan3A_11 to %scan3A_13 step %scan3A_14  : i32 {
      %mul3A_28 = arith.constant 2 : i32
      %mul3A_29 = arith.muli %mul3A_28, %scan3A_27 : i32
      %add3A_30 = arith.constant 1 : i32
      %add3A_31 = arith.addi %mul3A_29, %add3A_30 : i32
      %dma_start3A_32 = arith.constant 0 : i32
      %dma_start3A_33 = tpu.memref_slice %arg7[%add3A_31, %dma_start3A_32] : memref<50x128xi32, #tpu.memory_space<vmem>> -> memref<1x128xi32, #tpu.memory_space<vmem>>
      %dma_start3A_34 = tpu.memref_squeeze %dma_start3A_33 : memref<1x128xi32, #tpu.memory_space<vmem>> -> memref<128xi32, #tpu.memory_space<vmem>>
      %dma_start3A_35 = arith.constant 0 : i32
      %dma_start3A_36 = arith.constant 0 : i32
      %dma_start3A_37 = tpu.memref_slice %arg4[%dma_start3A_35, %dma_start3A_36] : memref<507904x128xf32, #tpu.memory_space<hbm>> -> memref<507904x128xf32, #tpu.memory_space<hbm>>
      tpu.enqueue_indirect_dma source(%dma_start3A_37 : memref<507904x128xf32, #tpu.memory_space<hbm>>) target(%arg10 : memref<128x128xf32, #tpu.memory_space<vmem>>) offsets(%dma_start3A_34 : memref<128xi32, #tpu.memory_space<vmem>>) semaphore(%arg15 : memref<!tpu.dma_semaphore, #tpu.memory_space<semaphore_mem>>)
      %dma_wait3A_38 = arith.constant 0 : i32
      %dma_wait3A_39 = tpu.memref_slice %arg7[%mul3A_29, %dma_wait3A_38] : memref<50x128xi32, #tpu.memory_space<vmem>> -> memref<1x128xi32, #tpu.memory_space<vmem>>
      %dma_wait3A_40 = tpu.memref_squeeze %dma_wait3A_39 : memref<1x128xi32, #tpu.memory_space<vmem>> -> memref<128xi32, #tpu.memory_space<vmem>>
      %dma_wait3A_41 = arith.constant 0 : i32
      %dma_wait3A_42 = arith.constant 0 : i32
      %dma_wait3A_43 = tpu.memref_slice %arg4[%dma_wait3A_41, %dma_wait3A_42] : memref<507904x128xf32, #tpu.memory_space<hbm>> -> memref<507904x128xf32, #tpu.memory_space<hbm>>
      tpu.wait_indirect_dma semaphore(%arg14 : memref<!tpu.dma_semaphore, #tpu.memory_space<semaphore_mem>>) src(%dma_wait3A_43 : memref<507904x128xf32, #tpu.memory_space<hbm>>) dst(%arg9 : memref<128x128xf32, #tpu.memory_space<vmem>>)
      %get3A = arith.constant 0 : i32
      %get3A_44 = tpu.memref_slice %arg8[%mul3A_29, %get3A] : memref<50x128xi32, #tpu.memory_space<vmem>> -> memref<1x128xi32, #tpu.memory_space<vmem>>
      %get3A_45 = tpu.memref_squeeze %get3A_44 : memref<1x128xi32, #tpu.memory_space<vmem>> -> memref<128xi32, #tpu.memory_space<vmem>>
      %get3A_46 = arith.constant 0 : index
      %get3A_47 = tpu.vector_load %get3A_45[%get3A_46] {strides = array<i32>} : memref<128xi32, #tpu.memory_space<vmem>>, vector<16xi32>,
      %get3A_48 = vector.shape_cast %get3A_47 : vector<16xi32> to vector<16xi32>
      %get3A_49 = arith.constant 0 : i32
      %get3A_50 = tpu.memref_slice %arg8[%mul3A_29, %get3A_49] : memref<50x128xi32, #tpu.memory_space<vmem>> -> memref<1x128xi32, #tpu.memory_space<vmem>>
      %get3A_51 = tpu.memref_squeeze %get3A_50 : memref<1x128xi32, #tpu.memory_space<vmem>> -> memref<128xi32, #tpu.memory_space<vmem>>
      %get3A_52 = arith.constant 112 : index
      %get3A_53 = tpu.vector_load %get3A_51[%get3A_52] {strides = array<i32>} : memref<128xi32, #tpu.memory_space<vmem>>, vector<16xi32>,
      %get3A_54 = vector.shape_cast %get3A_53 : vector<16xi32> to vector<16xi32>
      %slice3A = vector.extract_strided_slice %get3A_48 {offsets = [0], sizes = [1], strides = [1]} : vector<16xi32> to vector<1xi32>
      %squeeze3A = vector.extract %slice3A[0] : i32 from vector<1xi32>
      %slice3A_55 = vector.extract_strided_slice %get3A_54 {offsets = [15], sizes = [1], strides = [1]} : vector<16xi32> to vector<1xi32>
      %squeeze3A_56 = vector.extract %slice3A_55[0] : i32 from vector<1xi32>
      %eq3A = arith.cmpi eq, %squeeze3A, %squeeze3A_56 : i32
      %convert_element_type3A = arith.extui %eq3A : i1 to i32
      %cond3A = arith.constant 0 : i32
      %cond3A_57 = arith.cmpi ne, %convert_element_type3A, %cond3A : i32
      scf.if %cond3A_57 {
        %broadcast_in_dim3A = arith.constant 0.000000e+00 : f32
        %broadcast_in_dim3A_106 = vector.broadcast %broadcast_in_dim3A : f32 to vector<16xf32>
        %broadcast_in_dim3A_107 = arith.constant 0.000000e+00 : f32
        %broadcast_in_dim3A_108 = vector.broadcast %broadcast_in_dim3A_107 : f32 to vector<16xf32>
        %broadcast_in_dim3A_109 = arith.constant 0.000000e+00 : f32
        %broadcast_in_dim3A_110 = vector.broadcast %broadcast_in_dim3A_109 : f32 to vector<16xf32>
        %broadcast_in_dim3A_111 = arith.constant 0.000000e+00 : f32
        %broadcast_in_dim3A_112 = vector.broadcast %broadcast_in_dim3A_111 : f32 to vector<16xf32>
        %broadcast_in_dim3A_113 = arith.constant 0.000000e+00 : f32
        %broadcast_in_dim3A_114 = vector.broadcast %broadcast_in_dim3A_113 : f32 to vector<16xf32>
        %broadcast_in_dim3A_115 = arith.constant 0.000000e+00 : f32
        %broadcast_in_dim3A_116 = vector.broadcast %broadcast_in_dim3A_115 : f32 to vector<16xf32>
        %broadcast_in_dim3A_117 = arith.constant 0.000000e+00 : f32
        %broadcast_in_dim3A_118 = vector.broadcast %broadcast_in_dim3A_117 : f32 to vector<16xf32>
        %broadcast_in_dim3A_119 = arith.constant 0.000000e+00 : f32
        %broadcast_in_dim3A_120 = vector.broadcast %broadcast_in_dim3A_119 : f32 to vector<16xf32>
        %scan3A_121 = arith.constant 0 : i32
        %scan3A_122 = arith.constant 128 : i32
        %scan3A_123 = arith.addi %scan3A_121, %scan3A_122 : i32
        %scan3A_124 = arith.constant 1 : i32
        %scan3A_125:8 = scf.for %scan3A_184 = %scan3A_121 to %scan3A_123 step %scan3A_124 iter_args(%scan3A_185 = %broadcast_in_dim3A_106, %scan3A_186 = %broadcast_in_dim3A_108, %scan3A_187 = %broadcast_in_dim3A_110, %scan3A_188 = %broadcast_in_dim3A_112, %scan3A_189 = %broadcast_in_dim3A_114, %scan3A_190 = %broadcast_in_dim3A_116, %scan3A_191 = %broadcast_in_dim3A_118, %scan3A_192 = %broadcast_in_dim3A_120) -> (vector<16xf32>, vector<16xf32>, vector<16xf32>, vector<16xf32>, vector<16xf32>, vector<16xf32>, vector<16xf32>, vector<16xf32>)  : i32 {
          %get3A_193 = arith.constant 0 : i32
          %get3A_194 = tpu.memref_slice %arg9[%scan3A_184, %get3A_193] : memref<128x128xf32, #tpu.memory_space<vmem>> -> memref<1x128xf32, #tpu.memory_space<vmem>>
          %get3A_195 = tpu.memref_squeeze %get3A_194 : memref<1x128xf32, #tpu.memory_space<vmem>> -> memref<128xf32, #tpu.memory_space<vmem>>
          %get3A_196 = arith.constant 0 : index
          %get3A_197 = tpu.vector_load %get3A_195[%get3A_196] {strides = array<i32>} : memref<128xf32, #tpu.memory_space<vmem>>, vector<16xf32>,
          %get3A_198 = vector.shape_cast %get3A_197 : vector<16xf32> to vector<16xf32>
          %add3A_199 = arith.addf %scan3A_185, %get3A_198 : vector<16xf32>
          %get3A_200 = arith.constant 0 : i32
          %get3A_201 = tpu.memref_slice %arg9[%scan3A_184, %get3A_200] : memref<128x128xf32, #tpu.memory_space<vmem>> -> memref<1x128xf32, #tpu.memory_space<vmem>>
          %get3A_202 = tpu.memref_squeeze %get3A_201 : memref<1x128xf32, #tpu.memory_space<vmem>> -> memref<128xf32, #tpu.memory_space<vmem>>
          %get3A_203 = arith.constant 16 : index
          %get3A_204 = tpu.vector_load %get3A_202[%get3A_203] {strides = array<i32>} : memref<128xf32, #tpu.memory_space<vmem>>, vector<16xf32>,
          %get3A_205 = vector.shape_cast %get3A_204 : vector<16xf32> to vector<16xf32>
          %add3A_206 = arith.addf %scan3A_186, %get3A_205 : vector<16xf32>
          %get3A_207 = arith.constant 0 : i32
          %get3A_208 = tpu.memref_slice %arg9[%scan3A_184, %get3A_207] : memref<128x128xf32, #tpu.memory_space<vmem>> -> memref<1x128xf32, #tpu.memory_space<vmem>>
          %get3A_209 = tpu.memref_squeeze %get3A_208 : memref<1x128xf32, #tpu.memory_space<vmem>> -> memref<128xf32, #tpu.memory_space<vmem>>
          %get3A_210 = arith.constant 32 : index
          %get3A_211 = tpu.vector_load %get3A_209[%get3A_210] {strides = array<i32>} : memref<128xf32, #tpu.memory_space<vmem>>, vector<16xf32>,
          %get3A_212 = vector.shape_cast %get3A_211 : vector<16xf32> to vector<16xf32>
          %add3A_213 = arith.addf %scan3A_187, %get3A_212 : vector<16xf32>
          %get3A_214 = arith.constant 0 : i32
          %get3A_215 = tpu.memref_slice %arg9[%scan3A_184, %get3A_214] : memref<128x128xf32, #tpu.memory_space<vmem>> -> memref<1x128xf32, #tpu.memory_space<vmem>>
          %get3A_216 = tpu.memref_squeeze %get3A_215 : memref<1x128xf32, #tpu.memory_space<vmem>> -> memref<128xf32, #tpu.memory_space<vmem>>
          %get3A_217 = arith.constant 48 : index
          %get3A_218 = tpu.vector_load %get3A_216[%get3A_217] {strides = array<i32>} : memref<128xf32, #tpu.memory_space<vmem>>, vector<16xf32>,
          %get3A_219 = vector.shape_cast %get3A_218 : vector<16xf32> to vector<16xf32>
          %add3A_220 = arith.addf %scan3A_188, %get3A_219 : vector<16xf32>
          %get3A_221 = arith.constant 0 : i32
          %get3A_222 = tpu.memref_slice %arg9[%scan3A_184, %get3A_221] : memref<128x128xf32, #tpu.memory_space<vmem>> -> memref<1x128xf32, #tpu.memory_space<vmem>>
          %get3A_223 = tpu.memref_squeeze %get3A_222 : memref<1x128xf32, #tpu.memory_space<vmem>> -> memref<128xf32, #tpu.memory_space<vmem>>
          %get3A_224 = arith.constant 64 : index
          %get3A_225 = tpu.vector_load %get3A_223[%get3A_224] {strides = array<i32>} : memref<128xf32, #tpu.memory_space<vmem>>, vector<16xf32>,
          %get3A_226 = vector.shape_cast %get3A_225 : vector<16xf32> to vector<16xf32>
          %add3A_227 = arith.addf %scan3A_189, %get3A_226 : vector<16xf32>
          %get3A_228 = arith.constant 0 : i32
          %get3A_229 = tpu.memref_slice %arg9[%scan3A_184, %get3A_228] : memref<128x128xf32, #tpu.memory_space<vmem>> -> memref<1x128xf32, #tpu.memory_space<vmem>>
          %get3A_230 = tpu.memref_squeeze %get3A_229 : memref<1x128xf32, #tpu.memory_space<vmem>> -> memref<128xf32, #tpu.memory_space<vmem>>
          %get3A_231 = arith.constant 80 : index
          %get3A_232 = tpu.vector_load %get3A_230[%get3A_231] {strides = array<i32>} : memref<128xf32, #tpu.memory_space<vmem>>, vector<16xf32>,
          %get3A_233 = vector.shape_cast %get3A_232 : vector<16xf32> to vector<16xf32>
          %add3A_234 = arith.addf %scan3A_190, %get3A_233 : vector<16xf32>
          %get3A_235 = arith.constant 0 : i32
          %get3A_236 = tpu.memref_slice %arg9[%scan3A_184, %get3A_235] : memref<128x128xf32, #tpu.memory_space<vmem>> -> memref<1x128xf32, #tpu.memory_space<vmem>>
          %get3A_237 = tpu.memref_squeeze %get3A_236 : memref<1x128xf32, #tpu.memory_space<vmem>> -> memref<128xf32, #tpu.memory_space<vmem>>
          %get3A_238 = arith.constant 96 : index
          %get3A_239 = tpu.vector_load %get3A_237[%get3A_238] {strides = array<i32>} : memref<128xf32, #tpu.memory_space<vmem>>, vector<16xf32>,
          %get3A_240 = vector.shape_cast %get3A_239 : vector<16xf32> to vector<16xf32>
          %add3A_241 = arith.addf %scan3A_191, %get3A_240 : vector<16xf32>
          %get3A_242 = arith.constant 0 : i32
          %get3A_243 = tpu.memref_slice %arg9[%scan3A_184, %get3A_242] : memref<128x128xf32, #tpu.memory_space<vmem>> -> memref<1x128xf32, #tpu.memory_space<vmem>>
          %get3A_244 = tpu.memref_squeeze %get3A_243 : memref<1x128xf32, #tpu.memory_space<vmem>> -> memref<128xf32, #tpu.memory_space<vmem>>
          %get3A_245 = arith.constant 112 : index
          %get3A_246 = tpu.vector_load %get3A_244[%get3A_245] {strides = array<i32>} : memref<128xf32, #tpu.memory_space<vmem>>, vector<16xf32>,
          %get3A_247 = vector.shape_cast %get3A_246 : vector<16xf32> to vector<16xf32>
          %add3A_248 = arith.addf %scan3A_192, %get3A_247 : vector<16xf32>
          scf.yield %add3A_199, %add3A_206, %add3A_213, %add3A_220, %add3A_227, %add3A_234, %add3A_241, %add3A_248 : vector<16xf32>, vector<16xf32>, vector<16xf32>, vector<16xf32>, vector<16xf32>, vector<16xf32>, vector<16xf32>, vector<16xf32>
        }
        %scan3A_126 = arith.constant 128 : i32
        %swap3A = arith.constant 0 : i32
        %swap3A_127 = arith.index_cast %swap3A : i32 to index
        %swap3A_128 = arith.constant 0 : index
        %swap3A_129 = tpu.vector_load %arg11[%swap3A_127, %swap3A_128] {strides = array<i32>} : memref<16x128xf32, #tpu.memory_space<vmem>>, vector<1x16xf32>,
        %swap3A_130 = vector.shape_cast %swap3A_129 : vector<1x16xf32> to vector<16xf32>
        %swap3A_131 = vector.shape_cast %scan3A_125#0 : vector<16xf32> to vector<1x16xf32>
        tpu.vector_store %arg11[%swap3A_127, %swap3A_128], %swap3A_131 {strides = array<i32>} : memref<16x128xf32, #tpu.memory_space<vmem>>, vector<1x16xf32>,
        %swap3A_132 = arith.constant 0 : i32
        %swap3A_133 = arith.index_cast %swap3A_132 : i32 to index
        %swap3A_134 = arith.constant 16 : index
        %swap3A_135 = tpu.vector_load %arg11[%swap3A_133, %swap3A_134] {strides = array<i32>} : memref<16x128xf32, #tpu.memory_space<vmem>>, vector<1x16xf32>,
        %swap3A_136 = vector.shape_cast %swap3A_135 : vector<1x16xf32> to vector<16xf32>
        %swap3A_137 = vector.shape_cast %scan3A_125#1 : vector<16xf32> to vector<1x16xf32>
        tpu.vector_store %arg11[%swap3A_133, %swap3A_134], %swap3A_137 {strides = array<i32>} : memref<16x128xf32, #tpu.memory_space<vmem>>, vector<1x16xf32>,
        %swap3A_138 = arith.constant 0 : i32
        %swap3A_139 = arith.index_cast %swap3A_138 : i32 to index
        %swap3A_140 = arith.constant 32 : index
        %swap3A_141 = tpu.vector_load %arg11[%swap3A_139, %swap3A_140] {strides = array<i32>} : memref<16x128xf32, #tpu.memory_space<vmem>>, vector<1x16xf32>,
        %swap3A_142 = vector.shape_cast %swap3A_141 : vector<1x16xf32> to vector<16xf32>
        %swap3A_143 = vector.shape_cast %scan3A_125#2 : vector<16xf32> to vector<1x16xf32>
        tpu.vector_store %arg11[%swap3A_139, %swap3A_140], %swap3A_143 {strides = array<i32>} : memref<16x128xf32, #tpu.memory_space<vmem>>, vector<1x16xf32>,
        %swap3A_144 = arith.constant 0 : i32
        %swap3A_145 = arith.index_cast %swap3A_144 : i32 to index
        %swap3A_146 = arith.constant 48 : index
        %swap3A_147 = tpu.vector_load %arg11[%swap3A_145, %swap3A_146] {strides = array<i32>} : memref<16x128xf32, #tpu.memory_space<vmem>>, vector<1x16xf32>,
        %swap3A_148 = vector.shape_cast %swap3A_147 : vector<1x16xf32> to vector<16xf32>
        %swap3A_149 = vector.shape_cast %scan3A_125#3 : vector<16xf32> to vector<1x16xf32>
        tpu.vector_store %arg11[%swap3A_145, %swap3A_146], %swap3A_149 {strides = array<i32>} : memref<16x128xf32, #tpu.memory_space<vmem>>, vector<1x16xf32>,
        %swap3A_150 = arith.constant 0 : i32
        %swap3A_151 = arith.index_cast %swap3A_150 : i32 to index
        %swap3A_152 = arith.constant 64 : index
        %swap3A_153 = tpu.vector_load %arg11[%swap3A_151, %swap3A_152] {strides = array<i32>} : memref<16x128xf32, #tpu.memory_space<vmem>>, vector<1x16xf32>,
        %swap3A_154 = vector.shape_cast %swap3A_153 : vector<1x16xf32> to vector<16xf32>
        %swap3A_155 = vector.shape_cast %scan3A_125#4 : vector<16xf32> to vector<1x16xf32>
        tpu.vector_store %arg11[%swap3A_151, %swap3A_152], %swap3A_155 {strides = array<i32>} : memref<16x128xf32, #tpu.memory_space<vmem>>, vector<1x16xf32>,
        %swap3A_156 = arith.constant 0 : i32
        %swap3A_157 = arith.index_cast %swap3A_156 : i32 to index
        %swap3A_158 = arith.constant 80 : index
        %swap3A_159 = tpu.vector_load %arg11[%swap3A_157, %swap3A_158] {strides = array<i32>} : memref<16x128xf32, #tpu.memory_space<vmem>>, vector<1x16xf32>,
        %swap3A_160 = vector.shape_cast %swap3A_159 : vector<1x16xf32> to vector<16xf32>
        %swap3A_161 = vector.shape_cast %scan3A_125#5 : vector<16xf32> to vector<1x16xf32>
        tpu.vector_store %arg11[%swap3A_157, %swap3A_158], %swap3A_161 {strides = array<i32>} : memref<16x128xf32, #tpu.memory_space<vmem>>, vector<1x16xf32>,
        %swap3A_162 = arith.constant 0 : i32
        %swap3A_163 = arith.index_cast %swap3A_162 : i32 to index
        %swap3A_164 = arith.constant 96 : index
        %swap3A_165 = tpu.vector_load %arg11[%swap3A_163, %swap3A_164] {strides = array<i32>} : memref<16x128xf32, #tpu.memory_space<vmem>>, vector<1x16xf32>,
        %swap3A_166 = vector.shape_cast %swap3A_165 : vector<1x16xf32> to vector<16xf32>
        %swap3A_167 = vector.shape_cast %scan3A_125#6 : vector<16xf32> to vector<1x16xf32>
        tpu.vector_store %arg11[%swap3A_163, %swap3A_164], %swap3A_167 {strides = array<i32>} : memref<16x128xf32, #tpu.memory_space<vmem>>, vector<1x16xf32>,
        %swap3A_168 = arith.constant 0 : i32
        %swap3A_169 = arith.index_cast %swap3A_168 : i32 to index
        %swap3A_170 = arith.constant 112 : index
        %swap3A_171 = tpu.vector_load %arg11[%swap3A_169, %swap3A_170] {strides = array<i32>} : memref<16x128xf32, #tpu.memory_space<vmem>>, vector<1x16xf32>,
        %swap3A_172 = vector.shape_cast %swap3A_171 : vector<1x16xf32> to vector<16xf32>
        %swap3A_173 = vector.shape_cast %scan3A_125#7 : vector<16xf32> to vector<1x16xf32>
        tpu.vector_store %arg11[%swap3A_169, %swap3A_170], %swap3A_173 {strides = array<i32>} : memref<16x128xf32, #tpu.memory_space<vmem>>, vector<1x16xf32>,
        %get3A_174 = arith.constant 0 : i32
        %get3A_175 = tpu.memref_slice %arg8[%mul3A_29, %get3A_174] : memref<50x128xi32, #tpu.memory_space<vmem>> -> memref<1x128xi32, #tpu.memory_space<vmem>>
        %get3A_176 = tpu.memref_squeeze %get3A_175 : memref<1x128xi32, #tpu.memory_space<vmem>> -> memref<128xi32, #tpu.memory_space<vmem>>
        %get3A_177 = arith.constant 0 : index
        %get3A_178 = tpu.vector_load %get3A_176[%get3A_177] {strides = array<i32>} : memref<128xi32, #tpu.memory_space<vmem>>, vector<16xi32>,
        %get3A_179 = vector.shape_cast %get3A_178 : vector<16xi32> to vector<16xi32>
        %swap3A_180 = arith.constant 0 : index
        %swap3A_181 = tpu.vector_load %arg12[%swap3A_180] {strides = array<i32>} : memref<16xi32, #tpu.memory_space<vmem>>, vector<16xi32>,
        %swap3A_182 = vector.shape_cast %swap3A_181 : vector<16xi32> to vector<16xi32>
        %swap3A_183 = vector.shape_cast %get3A_179 : vector<16xi32> to vector<16xi32>
        tpu.vector_store %arg12[%swap3A_180], %swap3A_183 {strides = array<i32>} : memref<16xi32, #tpu.memory_space<vmem>>, vector<16xi32>,
        "tpu.region"() ({
          %run_scoped3A = tpu.sem_alloc : memref<!tpu.dma_semaphore, #tpu.memory_space<semaphore_mem>>
          %dma_start3A_184 = arith.constant 0 : i32
          %dma_start3A_185 = arith.constant 0 : i32
          %dma_start3A_186 = tpu.memref_slice %arg13[%dma_start3A_184, %dma_start3A_185] : memref<8192x128xf32, #tpu.memory_space<vmem_shared>> -> memref<8192x128xf32, #tpu.memory_space<vmem_shared>>
          tpu.enqueue_indirect_dma source(%arg11 : memref<16x128xf32, #tpu.memory_space<vmem>>) target(%dma_start3A_186 : memref<8192x128xf32, #tpu.memory_space<vmem_shared>>) offsets(%arg12 : memref<16xi32, #tpu.memory_space<vmem>>) semaphore(%run_scoped3A : memref<!tpu.dma_semaphore, #tpu.memory_space<semaphore_mem>>) {add = true}
          %dma_wait3A_187 = arith.constant 0 : i32
          %dma_wait3A_188 = arith.constant 0 : i32
          %dma_wait3A_189 = tpu.memref_slice %arg13[%dma_wait3A_187, %dma_wait3A_188] : memref<8192x128xf32, #tpu.memory_space<vmem_shared>> -> memref<8192x128xf32, #tpu.memory_space<vmem_shared>>
          tpu.wait_indirect_dma semaphore(%run_scoped3A : memref<!tpu.dma_semaphore, #tpu.memory_space<semaphore_mem>>) src(%arg11 : memref<16x128xf32, #tpu.memory_space<vmem>>) dst(%dma_wait3A_189 : memref<8192x128xf32, #tpu.memory_space<vmem_shared>>)
          tpu.yield
        }) : () -> ()
      } else {
      }
      %not3A = arith.constant true
      %not3A_58 = arith.xori %eq3A, %not3A : i1
      %convert_element_type3A_59 = arith.extui %not3A_58 : i1 to i32
      %cond3A_60 = arith.constant 0 : i32
      %cond3A_61 = arith.cmpi ne, %convert_element_type3A_59, %cond3A_60 : i32
      scf.if %cond3A_61 {
        "tpu.region"() ({
          %run_scoped3A = tpu.sem_alloc : memref<!tpu.dma_semaphore, #tpu.memory_space<semaphore_mem>>
          %dma_start3A_106 = arith.constant 0 : i32
          %dma_start3A_107 = tpu.memref_slice %arg8[%mul3A_29, %dma_start3A_106] : memref<50x128xi32, #tpu.memory_space<vmem>> -> memref<1x128xi32, #tpu.memory_space<vmem>>
          %dma_start3A_108 = tpu.memref_squeeze %dma_start3A_107 : memref<1x128xi32, #tpu.memory_space<vmem>> -> memref<128xi32, #tpu.memory_space<vmem>>
          %dma_start3A_109 = arith.constant 0 : i32
          %dma_start3A_110 = arith.constant 0 : i32
          %dma_start3A_111 = tpu.memref_slice %arg13[%dma_start3A_109, %dma_start3A_110] : memref<8192x128xf32, #tpu.memory_space<vmem_shared>> -> memref<8192x128xf32, #tpu.memory_space<vmem_shared>>
          tpu.enqueue_indirect_dma source(%arg9 : memref<128x128xf32, #tpu.memory_space<vmem>>) target(%dma_start3A_111 : memref<8192x128xf32, #tpu.memory_space<vmem_shared>>) offsets(%dma_start3A_108 : memref<128xi32, #tpu.memory_space<vmem>>) semaphore(%run_scoped3A : memref<!tpu.dma_semaphore, #tpu.memory_space<semaphore_mem>>) {add = true}
          %dma_wait3A_112 = arith.constant 0 : i32
          %dma_wait3A_113 = tpu.memref_slice %arg8[%mul3A_29, %dma_wait3A_112] : memref<50x128xi32, #tpu.memory_space<vmem>> -> memref<1x128xi32, #tpu.memory_space<vmem>>
          %dma_wait3A_114 = tpu.memref_squeeze %dma_wait3A_113 : memref<1x128xi32, #tpu.memory_space<vmem>> -> memref<128xi32, #tpu.memory_space<vmem>>
          %dma_wait3A_115 = arith.constant 0 : i32
          %dma_wait3A_116 = arith.constant 0 : i32
          %dma_wait3A_117 = tpu.memref_slice %arg13[%dma_wait3A_115, %dma_wait3A_116] : memref<8192x128xf32, #tpu.memory_space<vmem_shared>> -> memref<8192x128xf32, #tpu.memory_space<vmem_shared>>
          tpu.wait_indirect_dma semaphore(%run_scoped3A : memref<!tpu.dma_semaphore, #tpu.memory_space<semaphore_mem>>) src(%arg9 : memref<128x128xf32, #tpu.memory_space<vmem>>) dst(%dma_wait3A_117 : memref<8192x128xf32, #tpu.memory_space<vmem_shared>>)
          tpu.yield
        }) : () -> ()
      } else {
      }
      %add3A_62 = arith.constant 2 : i32
      %add3A_63 = arith.addi %mul3A_29, %add3A_62 : i32
      %min3A = arith.constant 49 : i32
      %min3A_64 = arith.minsi %add3A_63, %min3A : i32
      %dma_start3A_65 = arith.constant 0 : i32
      %dma_start3A_66 = tpu.memref_slice %arg7[%min3A_64, %dma_start3A_65] : memref<50x128xi32, #tpu.memory_space<vmem>> -> memref<1x128xi32, #tpu.memory_space<vmem>>
      %dma_start3A_67 = tpu.memref_squeeze %dma_start3A_66 : memref<1x128xi32, #tpu.memory_space<vmem>> -> memref<128xi32, #tpu.memory_space<vmem>>
      %dma_start3A_68 = arith.constant 0 : i32
      %dma_start3A_69 = arith.constant 0 : i32
      %dma_start3A_70 = tpu.memref_slice %arg4[%dma_start3A_68, %dma_start3A_69] : memref<507904x128xf32, #tpu.memory_space<hbm>> -> memref<507904x128xf32, #tpu.memory_space<hbm>>
      tpu.enqueue_indirect_dma source(%dma_start3A_70 : memref<507904x128xf32, #tpu.memory_space<hbm>>) target(%arg9 : memref<128x128xf32, #tpu.memory_space<vmem>>) offsets(%dma_start3A_67 : memref<128xi32, #tpu.memory_space<vmem>>) semaphore(%arg14 : memref<!tpu.dma_semaphore, #tpu.memory_space<semaphore_mem>>)
      %add3A_71 = arith.constant 1 : i32
      %add3A_72 = arith.addi %mul3A_29, %add3A_71 : i32
      %dma_wait3A_73 = arith.constant 0 : i32
      %dma_wait3A_74 = tpu.memref_slice %arg7[%add3A_72, %dma_wait3A_73] : memref<50x128xi32, #tpu.memory_space<vmem>> -> memref<1x128xi32, #tpu.memory_space<vmem>>
      %dma_wait3A_75 = tpu.memref_squeeze %dma_wait3A_74 : memref<1x128xi32, #tpu.memory_space<vmem>> -> memref<128xi32, #tpu.memory_space<vmem>>
      %dma_wait3A_76 = arith.constant 0 : i32
      %dma_wait3A_77 = arith.constant 0 : i32
      %dma_wait3A_78 = tpu.memref_slice %arg4[%dma_wait3A_76, %dma_wait3A_77] : memref<507904x128xf32, #tpu.memory_space<hbm>> -> memref<507904x128xf32, #tpu.memory_space<hbm>>
      tpu.wait_indirect_dma semaphore(%arg15 : memref<!tpu.dma_semaphore, #tpu.memory_space<semaphore_mem>>) src(%dma_wait3A_78 : memref<507904x128xf32, #tpu.memory_space<hbm>>) dst(%arg10 : memref<128x128xf32, #tpu.memory_space<vmem>>)
      %add3A_79 = arith.constant 1 : i32
      %add3A_80 = arith.addi %mul3A_29, %add3A_79 : i32
      %get3A_81 = arith.constant 0 : i32
      %get3A_82 = tpu.memref_slice %arg8[%add3A_80, %get3A_81] : memref<50x128xi32, #tpu.memory_space<vmem>> -> memref<1x128xi32, #tpu.memory_space<vmem>>
      %get3A_83 = tpu.memref_squeeze %get3A_82 : memref<1x128xi32, #tpu.memory_space<vmem>> -> memref<128xi32, #tpu.memory_space<vmem>>
      %get3A_84 = arith.constant 0 : index
      %get3A_85 = tpu.vector_load %get3A_83[%get3A_84] {strides = array<i32>} : memref<128xi32, #tpu.memory_space<vmem>>, vector<16xi32>,
      %get3A_86 = vector.shape_cast %get3A_85 : vector<16xi32> to vector<16xi32>
      %get3A_87 = arith.constant 0 : i32
      %get3A_88 = tpu.memref_slice %arg8[%add3A_80, %get3A_87] : memref<50x128xi32, #tpu.memory_space<vmem>> -> memref<1x128xi32, #tpu.memory_space<vmem>>
      %get3A_89 = tpu.memref_squeeze %get3A_88 : memref<1x128xi32, #tpu.memory_space<vmem>> -> memref<128xi32, #tpu.memory_space<vmem>>
      %get3A_90 = arith.constant 112 : index
      %get3A_91 = tpu.vector_load %get3A_89[%get3A_90] {strides = array<i32>} : memref<128xi32, #tpu.memory_space<vmem>>, vector<16xi32>,
      %get3A_92 = vector.shape_cast %get3A_91 : vector<16xi32> to vector<16xi32>
      %slice3A_93 = vector.extract_strided_slice %get3A_86 {offsets = [0], sizes = [1], strides = [1]} : vector<16xi32> to vector<1xi32>
      %squeeze3A_94 = vector.extract %slice3A_93[0] : i32 from vector<1xi32>
      %slice3A_95 = vector.extract_strided_slice %get3A_92 {offsets = [15], sizes = [1], strides = [1]} : vector<16xi32> to vector<1xi32>
      %squeeze3A_96 = vector.extract %slice3A_95[0] : i32 from vector<1xi32>
      %eq3A_97 = arith.cmpi eq, %squeeze3A_94, %squeeze3A_96 : i32
      %convert_element_type3A_98 = arith.extui %eq3A_97 : i1 to i32
      %cond3A_99 = arith.constant 0 : i32
      %cond3A_100 = arith.cmpi ne, %convert_element_type3A_98, %cond3A_99 : i32
      scf.if %cond3A_100 {
        %broadcast_in_dim3A = arith.constant 0.000000e+00 : f32
        %broadcast_in_dim3A_106 = vector.broadcast %broadcast_in_dim3A : f32 to vector<16xf32>
        %broadcast_in_dim3A_107 = arith.constant 0.000000e+00 : f32
        %broadcast_in_dim3A_108 = vector.broadcast %broadcast_in_dim3A_107 : f32 to vector<16xf32>
        %broadcast_in_dim3A_109 = arith.constant 0.000000e+00 : f32
        %broadcast_in_dim3A_110 = vector.broadcast %broadcast_in_dim3A_109 : f32 to vector<16xf32>
        %broadcast_in_dim3A_111 = arith.constant 0.000000e+00 : f32
        %broadcast_in_dim3A_112 = vector.broadcast %broadcast_in_dim3A_111 : f32 to vector<16xf32>
        %broadcast_in_dim3A_113 = arith.constant 0.000000e+00 : f32
        %broadcast_in_dim3A_114 = vector.broadcast %broadcast_in_dim3A_113 : f32 to vector<16xf32>
        %broadcast_in_dim3A_115 = arith.constant 0.000000e+00 : f32
        %broadcast_in_dim3A_116 = vector.broadcast %broadcast_in_dim3A_115 : f32 to vector<16xf32>
        %broadcast_in_dim3A_117 = arith.constant 0.000000e+00 : f32
        %broadcast_in_dim3A_118 = vector.broadcast %broadcast_in_dim3A_117 : f32 to vector<16xf32>
        %broadcast_in_dim3A_119 = arith.constant 0.000000e+00 : f32
        %broadcast_in_dim3A_120 = vector.broadcast %broadcast_in_dim3A_119 : f32 to vector<16xf32>
        %scan3A_121 = arith.constant 0 : i32
        %scan3A_122 = arith.constant 128 : i32
        %scan3A_123 = arith.addi %scan3A_121, %scan3A_122 : i32
        %scan3A_124 = arith.constant 1 : i32
        %scan3A_125:8 = scf.for %scan3A_184 = %scan3A_121 to %scan3A_123 step %scan3A_124 iter_args(%scan3A_185 = %broadcast_in_dim3A_106, %scan3A_186 = %broadcast_in_dim3A_108, %scan3A_187 = %broadcast_in_dim3A_110, %scan3A_188 = %broadcast_in_dim3A_112, %scan3A_189 = %broadcast_in_dim3A_114, %scan3A_190 = %broadcast_in_dim3A_116, %scan3A_191 = %broadcast_in_dim3A_118, %scan3A_192 = %broadcast_in_dim3A_120) -> (vector<16xf32>, vector<16xf32>, vector<16xf32>, vector<16xf32>, vector<16xf32>, vector<16xf32>, vector<16xf32>, vector<16xf32>)  : i32 {
          %get3A_193 = arith.constant 0 : i32
          %get3A_194 = tpu.memref_slice %arg10[%scan3A_184, %get3A_193] : memref<128x128xf32, #tpu.memory_space<vmem>> -> memref<1x128xf32, #tpu.memory_space<vmem>>
          %get3A_195 = tpu.memref_squeeze %get3A_194 : memref<1x128xf32, #tpu.memory_space<vmem>> -> memref<128xf32, #tpu.memory_space<vmem>>
          %get3A_196 = arith.constant 0 : index
          %get3A_197 = tpu.vector_load %get3A_195[%get3A_196] {strides = array<i32>} : memref<128xf32, #tpu.memory_space<vmem>>, vector<16xf32>,
          %get3A_198 = vector.shape_cast %get3A_197 : vector<16xf32> to vector<16xf32>
          %add3A_199 = arith.addf %scan3A_185, %get3A_198 : vector<16xf32>
          %get3A_200 = arith.constant 0 : i32
          %get3A_201 = tpu.memref_slice %arg10[%scan3A_184, %get3A_200] : memref<128x128xf32, #tpu.memory_space<vmem>> -> memref<1x128xf32, #tpu.memory_space<vmem>>
          %get3A_202 = tpu.memref_squeeze %get3A_201 : memref<1x128xf32, #tpu.memory_space<vmem>> -> memref<128xf32, #tpu.memory_space<vmem>>
          %get3A_203 = arith.constant 16 : index
          %get3A_204 = tpu.vector_load %get3A_202[%get3A_203] {strides = array<i32>} : memref<128xf32, #tpu.memory_space<vmem>>, vector<16xf32>,
          %get3A_205 = vector.shape_cast %get3A_204 : vector<16xf32> to vector<16xf32>
          %add3A_206 = arith.addf %scan3A_186, %get3A_205 : vector<16xf32>
          %get3A_207 = arith.constant 0 : i32
          %get3A_208 = tpu.memref_slice %arg10[%scan3A_184, %get3A_207] : memref<128x128xf32, #tpu.memory_space<vmem>> -> memref<1x128xf32, #tpu.memory_space<vmem>>
          %get3A_209 = tpu.memref_squeeze %get3A_208 : memref<1x128xf32, #tpu.memory_space<vmem>> -> memref<128xf32, #tpu.memory_space<vmem>>
          %get3A_210 = arith.constant 32 : index
          %get3A_211 = tpu.vector_load %get3A_209[%get3A_210] {strides = array<i32>} : memref<128xf32, #tpu.memory_space<vmem>>, vector<16xf32>,
          %get3A_212 = vector.shape_cast %get3A_211 : vector<16xf32> to vector<16xf32>
          %add3A_213 = arith.addf %scan3A_187, %get3A_212 : vector<16xf32>
          %get3A_214 = arith.constant 0 : i32
          %get3A_215 = tpu.memref_slice %arg10[%scan3A_184, %get3A_214] : memref<128x128xf32, #tpu.memory_space<vmem>> -> memref<1x128xf32, #tpu.memory_space<vmem>>
          %get3A_216 = tpu.memref_squeeze %get3A_215 : memref<1x128xf32, #tpu.memory_space<vmem>> -> memref<128xf32, #tpu.memory_space<vmem>>
          %get3A_217 = arith.constant 48 : index
          %get3A_218 = tpu.vector_load %get3A_216[%get3A_217] {strides = array<i32>} : memref<128xf32, #tpu.memory_space<vmem>>, vector<16xf32>,
          %get3A_219 = vector.shape_cast %get3A_218 : vector<16xf32> to vector<16xf32>
          %add3A_220 = arith.addf %scan3A_188, %get3A_219 : vector<16xf32>
          %get3A_221 = arith.constant 0 : i32
          %get3A_222 = tpu.memref_slice %arg10[%scan3A_184, %get3A_221] : memref<128x128xf32, #tpu.memory_space<vmem>> -> memref<1x128xf32, #tpu.memory_space<vmem>>
          %get3A_223 = tpu.memref_squeeze %get3A_222 : memref<1x128xf32, #tpu.memory_space<vmem>> -> memref<128xf32, #tpu.memory_space<vmem>>
          %get3A_224 = arith.constant 64 : index
          %get3A_225 = tpu.vector_load %get3A_223[%get3A_224] {strides = array<i32>} : memref<128xf32, #tpu.memory_space<vmem>>, vector<16xf32>,
          %get3A_226 = vector.shape_cast %get3A_225 : vector<16xf32> to vector<16xf32>
          %add3A_227 = arith.addf %scan3A_189, %get3A_226 : vector<16xf32>
          %get3A_228 = arith.constant 0 : i32
          %get3A_229 = tpu.memref_slice %arg10[%scan3A_184, %get3A_228] : memref<128x128xf32, #tpu.memory_space<vmem>> -> memref<1x128xf32, #tpu.memory_space<vmem>>
          %get3A_230 = tpu.memref_squeeze %get3A_229 : memref<1x128xf32, #tpu.memory_space<vmem>> -> memref<128xf32, #tpu.memory_space<vmem>>
          %get3A_231 = arith.constant 80 : index
          %get3A_232 = tpu.vector_load %get3A_230[%get3A_231] {strides = array<i32>} : memref<128xf32, #tpu.memory_space<vmem>>, vector<16xf32>,
          %get3A_233 = vector.shape_cast %get3A_232 : vector<16xf32> to vector<16xf32>
          %add3A_234 = arith.addf %scan3A_190, %get3A_233 : vector<16xf32>
          %get3A_235 = arith.constant 0 : i32
          %get3A_236 = tpu.memref_slice %arg10[%scan3A_184, %get3A_235] : memref<128x128xf32, #tpu.memory_space<vmem>> -> memref<1x128xf32, #tpu.memory_space<vmem>>
          %get3A_237 = tpu.memref_squeeze %get3A_236 : memref<1x128xf32, #tpu.memory_space<vmem>> -> memref<128xf32, #tpu.memory_space<vmem>>
          %get3A_238 = arith.constant 96 : index
          %get3A_239 = tpu.vector_load %get3A_237[%get3A_238] {strides = array<i32>} : memref<128xf32, #tpu.memory_space<vmem>>, vector<16xf32>,
          %get3A_240 = vector.shape_cast %get3A_239 : vector<16xf32> to vector<16xf32>
          %add3A_241 = arith.addf %scan3A_191, %get3A_240 : vector<16xf32>
          %get3A_242 = arith.constant 0 : i32
          %get3A_243 = tpu.memref_slice %arg10[%scan3A_184, %get3A_242] : memref<128x128xf32, #tpu.memory_space<vmem>> -> memref<1x128xf32, #tpu.memory_space<vmem>>
          %get3A_244 = tpu.memref_squeeze %get3A_243 : memref<1x128xf32, #tpu.memory_space<vmem>> -> memref<128xf32, #tpu.memory_space<vmem>>
          %get3A_245 = arith.constant 112 : index
          %get3A_246 = tpu.vector_load %get3A_244[%get3A_245] {strides = array<i32>} : memref<128xf32, #tpu.memory_space<vmem>>, vector<16xf32>,
          %get3A_247 = vector.shape_cast %get3A_246 : vector<16xf32> to vector<16xf32>
          %add3A_248 = arith.addf %scan3A_192, %get3A_247 : vector<16xf32>
          scf.yield %add3A_199, %add3A_206, %add3A_213, %add3A_220, %add3A_227, %add3A_234, %add3A_241, %add3A_248 : vector<16xf32>, vector<16xf32>, vector<16xf32>, vector<16xf32>, vector<16xf32>, vector<16xf32>, vector<16xf32>, vector<16xf32>
        }
        %scan3A_126 = arith.constant 128 : i32
        %swap3A = arith.constant 0 : i32
        %swap3A_127 = arith.index_cast %swap3A : i32 to index
        %swap3A_128 = arith.constant 0 : index
        %swap3A_129 = tpu.vector_load %arg11[%swap3A_127, %swap3A_128] {strides = array<i32>} : memref<16x128xf32, #tpu.memory_space<vmem>>, vector<1x16xf32>,
        %swap3A_130 = vector.shape_cast %swap3A_129 : vector<1x16xf32> to vector<16xf32>
        %swap3A_131 = vector.shape_cast %scan3A_125#0 : vector<16xf32> to vector<1x16xf32>
        tpu.vector_store %arg11[%swap3A_127, %swap3A_128], %swap3A_131 {strides = array<i32>} : memref<16x128xf32, #tpu.memory_space<vmem>>, vector<1x16xf32>,
        %swap3A_132 = arith.constant 0 : i32
        %swap3A_133 = arith.index_cast %swap3A_132 : i32 to index
        %swap3A_134 = arith.constant 16 : index
        %swap3A_135 = tpu.vector_load %arg11[%swap3A_133, %swap3A_134] {strides = array<i32>} : memref<16x128xf32, #tpu.memory_space<vmem>>, vector<1x16xf32>,
        %swap3A_136 = vector.shape_cast %swap3A_135 : vector<1x16xf32> to vector<16xf32>
        %swap3A_137 = vector.shape_cast %scan3A_125#1 : vector<16xf32> to vector<1x16xf32>
        tpu.vector_store %arg11[%swap3A_133, %swap3A_134], %swap3A_137 {strides = array<i32>} : memref<16x128xf32, #tpu.memory_space<vmem>>, vector<1x16xf32>,
        %swap3A_138 = arith.constant 0 : i32
        %swap3A_139 = arith.index_cast %swap3A_138 : i32 to index
        %swap3A_140 = arith.constant 32 : index
        %swap3A_141 = tpu.vector_load %arg11[%swap3A_139, %swap3A_140] {strides = array<i32>} : memref<16x128xf32, #tpu.memory_space<vmem>>, vector<1x16xf32>,
        %swap3A_142 = vector.shape_cast %swap3A_141 : vector<1x16xf32> to vector<16xf32>
        %swap3A_143 = vector.shape_cast %scan3A_125#2 : vector<16xf32> to vector<1x16xf32>
        tpu.vector_store %arg11[%swap3A_139, %swap3A_140], %swap3A_143 {strides = array<i32>} : memref<16x128xf32, #tpu.memory_space<vmem>>, vector<1x16xf32>,
        %swap3A_144 = arith.constant 0 : i32
        %swap3A_145 = arith.index_cast %swap3A_144 : i32 to index
        %swap3A_146 = arith.constant 48 : index
        %swap3A_147 = tpu.vector_load %arg11[%swap3A_145, %swap3A_146] {strides = array<i32>} : memref<16x128xf32, #tpu.memory_space<vmem>>, vector<1x16xf32>,
        %swap3A_148 = vector.shape_cast %swap3A_147 : vector<1x16xf32> to vector<16xf32>
        %swap3A_149 = vector.shape_cast %scan3A_125#3 : vector<16xf32> to vector<1x16xf32>
        tpu.vector_store %arg11[%swap3A_145, %swap3A_146], %swap3A_149 {strides = array<i32>} : memref<16x128xf32, #tpu.memory_space<vmem>>, vector<1x16xf32>,
        %swap3A_150 = arith.constant 0 : i32
        %swap3A_151 = arith.index_cast %swap3A_150 : i32 to index
        %swap3A_152 = arith.constant 64 : index
        %swap3A_153 = tpu.vector_load %arg11[%swap3A_151, %swap3A_152] {strides = array<i32>} : memref<16x128xf32, #tpu.memory_space<vmem>>, vector<1x16xf32>,
        %swap3A_154 = vector.shape_cast %swap3A_153 : vector<1x16xf32> to vector<16xf32>
        %swap3A_155 = vector.shape_cast %scan3A_125#4 : vector<16xf32> to vector<1x16xf32>
        tpu.vector_store %arg11[%swap3A_151, %swap3A_152], %swap3A_155 {strides = array<i32>} : memref<16x128xf32, #tpu.memory_space<vmem>>, vector<1x16xf32>,
        %swap3A_156 = arith.constant 0 : i32
        %swap3A_157 = arith.index_cast %swap3A_156 : i32 to index
        %swap3A_158 = arith.constant 80 : index
        %swap3A_159 = tpu.vector_load %arg11[%swap3A_157, %swap3A_158] {strides = array<i32>} : memref<16x128xf32, #tpu.memory_space<vmem>>, vector<1x16xf32>,
        %swap3A_160 = vector.shape_cast %swap3A_159 : vector<1x16xf32> to vector<16xf32>
        %swap3A_161 = vector.shape_cast %scan3A_125#5 : vector<16xf32> to vector<1x16xf32>
        tpu.vector_store %arg11[%swap3A_157, %swap3A_158], %swap3A_161 {strides = array<i32>} : memref<16x128xf32, #tpu.memory_space<vmem>>, vector<1x16xf32>,
        %swap3A_162 = arith.constant 0 : i32
        %swap3A_163 = arith.index_cast %swap3A_162 : i32 to index
        %swap3A_164 = arith.constant 96 : index
        %swap3A_165 = tpu.vector_load %arg11[%swap3A_163, %swap3A_164] {strides = array<i32>} : memref<16x128xf32, #tpu.memory_space<vmem>>, vector<1x16xf32>,
        %swap3A_166 = vector.shape_cast %swap3A_165 : vector<1x16xf32> to vector<16xf32>
        %swap3A_167 = vector.shape_cast %scan3A_125#6 : vector<16xf32> to vector<1x16xf32>
        tpu.vector_store %arg11[%swap3A_163, %swap3A_164], %swap3A_167 {strides = array<i32>} : memref<16x128xf32, #tpu.memory_space<vmem>>, vector<1x16xf32>,
        %swap3A_168 = arith.constant 0 : i32
        %swap3A_169 = arith.index_cast %swap3A_168 : i32 to index
        %swap3A_170 = arith.constant 112 : index
        %swap3A_171 = tpu.vector_load %arg11[%swap3A_169, %swap3A_170] {strides = array<i32>} : memref<16x128xf32, #tpu.memory_space<vmem>>, vector<1x16xf32>,
        %swap3A_172 = vector.shape_cast %swap3A_171 : vector<1x16xf32> to vector<16xf32>
        %swap3A_173 = vector.shape_cast %scan3A_125#7 : vector<16xf32> to vector<1x16xf32>
        tpu.vector_store %arg11[%swap3A_169, %swap3A_170], %swap3A_173 {strides = array<i32>} : memref<16x128xf32, #tpu.memory_space<vmem>>, vector<1x16xf32>,
        %get3A_174 = arith.constant 0 : i32
        %get3A_175 = tpu.memref_slice %arg8[%add3A_80, %get3A_174] : memref<50x128xi32, #tpu.memory_space<vmem>> -> memref<1x128xi32, #tpu.memory_space<vmem>>
        %get3A_176 = tpu.memref_squeeze %get3A_175 : memref<1x128xi32, #tpu.memory_space<vmem>> -> memref<128xi32, #tpu.memory_space<vmem>>
        %get3A_177 = arith.constant 0 : index
        %get3A_178 = tpu.vector_load %get3A_176[%get3A_177] {strides = array<i32>} : memref<128xi32, #tpu.memory_space<vmem>>, vector<16xi32>,
        %get3A_179 = vector.shape_cast %get3A_178 : vector<16xi32> to vector<16xi32>
        %swap3A_180 = arith.constant 0 : index
        %swap3A_181 = tpu.vector_load %arg12[%swap3A_180] {strides = array<i32>} : memref<16xi32, #tpu.memory_space<vmem>>, vector<16xi32>,
        %swap3A_182 = vector.shape_cast %swap3A_181 : vector<16xi32> to vector<16xi32>
        %swap3A_183 = vector.shape_cast %get3A_179 : vector<16xi32> to vector<16xi32>
        tpu.vector_store %arg12[%swap3A_180], %swap3A_183 {strides = array<i32>} : memref<16xi32, #tpu.memory_space<vmem>>, vector<16xi32>,
        "tpu.region"() ({
          %run_scoped3A = tpu.sem_alloc : memref<!tpu.dma_semaphore, #tpu.memory_space<semaphore_mem>>
          %dma_start3A_184 = arith.constant 0 : i32
          %dma_start3A_185 = arith.constant 0 : i32
          %dma_start3A_186 = tpu.memref_slice %arg13[%dma_start3A_184, %dma_start3A_185] : memref<8192x128xf32, #tpu.memory_space<vmem_shared>> -> memref<8192x128xf32, #tpu.memory_space<vmem_shared>>
          tpu.enqueue_indirect_dma source(%arg11 : memref<16x128xf32, #tpu.memory_space<vmem>>) target(%dma_start3A_186 : memref<8192x128xf32, #tpu.memory_space<vmem_shared>>) offsets(%arg12 : memref<16xi32, #tpu.memory_space<vmem>>) semaphore(%run_scoped3A : memref<!tpu.dma_semaphore, #tpu.memory_space<semaphore_mem>>) {add = true}
          %dma_wait3A_187 = arith.constant 0 : i32
          %dma_wait3A_188 = arith.constant 0 : i32
          %dma_wait3A_189 = tpu.memref_slice %arg13[%dma_wait3A_187, %dma_wait3A_188] : memref<8192x128xf32, #tpu.memory_space<vmem_shared>> -> memref<8192x128xf32, #tpu.memory_space<vmem_shared>>
          tpu.wait_indirect_dma semaphore(%run_scoped3A : memref<!tpu.dma_semaphore, #tpu.memory_space<semaphore_mem>>) src(%arg11 : memref<16x128xf32, #tpu.memory_space<vmem>>) dst(%dma_wait3A_189 : memref<8192x128xf32, #tpu.memory_space<vmem_shared>>)
          tpu.yield
        }) : () -> ()
      } else {
      }
      %not3A_101 = arith.constant true
      %not3A_102 = arith.xori %eq3A_97, %not3A_101 : i1
      %convert_element_type3A_103 = arith.extui %not3A_102 : i1 to i32
      %cond3A_104 = arith.constant 0 : i32
      %cond3A_105 = arith.cmpi ne, %convert_element_type3A_103, %cond3A_104 : i32
      scf.if %cond3A_105 {
        "tpu.region"() ({
          %run_scoped3A = tpu.sem_alloc : memref<!tpu.dma_semaphore, #tpu.memory_space<semaphore_mem>>
          %dma_start3A_106 = arith.constant 0 : i32
          %dma_start3A_107 = tpu.memref_slice %arg8[%add3A_80, %dma_start3A_106] : memref<50x128xi32, #tpu.memory_space<vmem>> -> memref<1x128xi32, #tpu.memory_space<vmem>>
          %dma_start3A_108 = tpu.memref_squeeze %dma_start3A_107 : memref<1x128xi32, #tpu.memory_space<vmem>> -> memref<128xi32, #tpu.memory_space<vmem>>
          %dma_start3A_109 = arith.constant 0 : i32
          %dma_start3A_110 = arith.constant 0 : i32
          %dma_start3A_111 = tpu.memref_slice %arg13[%dma_start3A_109, %dma_start3A_110] : memref<8192x128xf32, #tpu.memory_space<vmem_shared>> -> memref<8192x128xf32, #tpu.memory_space<vmem_shared>>
          tpu.enqueue_indirect_dma source(%arg10 : memref<128x128xf32, #tpu.memory_space<vmem>>) target(%dma_start3A_111 : memref<8192x128xf32, #tpu.memory_space<vmem_shared>>) offsets(%dma_start3A_108 : memref<128xi32, #tpu.memory_space<vmem>>) semaphore(%run_scoped3A : memref<!tpu.dma_semaphore, #tpu.memory_space<semaphore_mem>>) {add = true}
          %dma_wait3A_112 = arith.constant 0 : i32
          %dma_wait3A_113 = tpu.memref_slice %arg8[%add3A_80, %dma_wait3A_112] : memref<50x128xi32, #tpu.memory_space<vmem>> -> memref<1x128xi32, #tpu.memory_space<vmem>>
          %dma_wait3A_114 = tpu.memref_squeeze %dma_wait3A_113 : memref<1x128xi32, #tpu.memory_space<vmem>> -> memref<128xi32, #tpu.memory_space<vmem>>
          %dma_wait3A_115 = arith.constant 0 : i32
          %dma_wait3A_116 = arith.constant 0 : i32
          %dma_wait3A_117 = tpu.memref_slice %arg13[%dma_wait3A_115, %dma_wait3A_116] : memref<8192x128xf32, #tpu.memory_space<vmem_shared>> -> memref<8192x128xf32, #tpu.memory_space<vmem_shared>>
          tpu.wait_indirect_dma semaphore(%run_scoped3A : memref<!tpu.dma_semaphore, #tpu.memory_space<semaphore_mem>>) src(%arg10 : memref<128x128xf32, #tpu.memory_space<vmem>>) dst(%dma_wait3A_117 : memref<8192x128xf32, #tpu.memory_space<vmem_shared>>)
          tpu.yield
        }) : () -> ()
      } else {
      }
    }
    %scan3A_15 = arith.constant 25 : i32
    %dma_wait3A = arith.constant 0 : i32
    %dma_wait3A_16 = arith.constant 0 : i32
    %dma_wait3A_17 = tpu.memref_slice %arg7[%dma_wait3A, %dma_wait3A_16] : memref<50x128xi32, #tpu.memory_space<vmem>> -> memref<1x128xi32, #tpu.memory_space<vmem>>
    %dma_wait3A_18 = tpu.memref_squeeze %dma_wait3A_17 : memref<1x128xi32, #tpu.memory_space<vmem>> -> memref<128xi32, #tpu.memory_space<vmem>>
    %dma_wait3A_19 = arith.constant 0 : i32
    %dma_wait3A_20 = arith.constant 0 : i32
    %dma_wait3A_21 = tpu.memref_slice %arg4[%dma_wait3A_19, %dma_wait3A_20] : memref<507904x128xf32, #tpu.memory_space<hbm>> -> memref<507904x128xf32, #tpu.memory_space<hbm>>
    tpu.wait_indirect_dma semaphore(%arg14 : memref<!tpu.dma_semaphore, #tpu.memory_space<semaphore_mem>>) src(%dma_wait3A_21 : memref<507904x128xf32, #tpu.memory_space<hbm>>) dst(%arg9 : memref<128x128xf32, #tpu.memory_space<vmem>>)
    %barrier3A_22 = arith.constant 0 : index
    tpu.barrier barrier_id(%barrier3A_22)
    %mul3A_23 = arith.constant 512 : i32
    %mul3A_24 = arith.muli %arg1, %mul3A_23 : i32
    %mul3A_25 = arith.constant 512 : i32
    %mul3A_26 = arith.muli %arg1, %mul3A_25 : i32
    "tpu.region"() ({
      %run_scoped3A = tpu.sem_alloc : memref<!tpu.dma_semaphore, #tpu.memory_space<semaphore_mem>>
      %dma_start3A_27 = arith.constant 0 : i32
      %dma_start3A_28 = tpu.memref_slice %arg6[%arg0, %mul3A_26, %dma_start3A_27] : memref<2x8192x128xf32, #tpu.memory_space<hbm>> -> memref<1x512x128xf32, #tpu.memory_space<hbm>>
      %dma_start3A_29 = tpu.memref_squeeze %dma_start3A_28 : memref<1x512x128xf32, #tpu.memory_space<hbm>> -> memref<512x128xf32, #tpu.memory_space<hbm>>
      %dma_start3A_30 = arith.constant 0 : i32
      %dma_start3A_31 = tpu.memref_slice %arg13[%mul3A_24, %dma_start3A_30] : memref<8192x128xf32, #tpu.memory_space<vmem_shared>> -> memref<512x128xf32, #tpu.memory_space<vmem_shared>>
      tpu.enqueue_dma source(%dma_start3A_31 : memref<512x128xf32, #tpu.memory_space<vmem_shared>>) target(%dma_start3A_29 : memref<512x128xf32, #tpu.memory_space<hbm>>) target_semaphore(%run_scoped3A : memref<!tpu.dma_semaphore, #tpu.memory_space<semaphore_mem>>)
      %dma_wait3A_32 = arith.constant 0 : i32
      %dma_wait3A_33 = tpu.memref_slice %arg6[%arg0, %mul3A_26, %dma_wait3A_32] : memref<2x8192x128xf32, #tpu.memory_space<hbm>> -> memref<1x512x128xf32, #tpu.memory_space<hbm>>
      %dma_wait3A_34 = tpu.memref_squeeze %dma_wait3A_33 : memref<1x512x128xf32, #tpu.memory_space<hbm>> -> memref<512x128xf32, #tpu.memory_space<hbm>>
      %dma_wait3A_35 = arith.constant 0 : i32
      %dma_wait3A_36 = tpu.memref_slice %arg13[%mul3A_24, %dma_wait3A_35] : memref<8192x128xf32, #tpu.memory_space<vmem_shared>> -> memref<512x128xf32, #tpu.memory_space<vmem_shared>>
      tpu.wait_dma2 semaphore(%run_scoped3A : memref<!tpu.dma_semaphore, #tpu.memory_space<semaphore_mem>>) src(%dma_wait3A_36 : memref<512x128xf32, #tpu.memory_space<vmem_shared>>) dst(%dma_wait3A_34 : memref<512x128xf32, #tpu.memory_space<hbm>>)
      tpu.yield
    }) : () -> ()
    return
  }
}

module attributes {stable_mosaic.version = 14 : i64} {
  func.func @_bag_ids_body(%arg0: memref<1600x128xi32, #tpu.memory_space<vmem>>, %arg1: memref<1600x128xi32, #tpu.memory_space<vmem>>) attributes {dimension_semantics = [], scalar_prefetch = 0 : i64, scratch_operands = 0 : i64, tpu.core_type = #tpu.core_type<tc>} {
    %get3A = arith.constant 0 : index
    %get3A_0 = arith.constant 0 : index
    %get3A_1 = vector.load %arg0[%get3A, %get3A_0] : memref<1600x128xi32, #tpu.memory_space<vmem>>, vector<1600x128xi32>
    %broadcast_in_dim3A = arith.constant 0 : i32
    %broadcast_in_dim3A_2 = vector.broadcast %broadcast_in_dim3A : i32 to vector<1600x1xi32>
    %slice3A = vector.extract_strided_slice %get3A_1 {offsets = [0, 0], sizes = [1600, 127], strides = [1, 1]} : vector<1600x128xi32> to vector<1600x127xi32>
    %concatenate3A = tpu.concatenate %broadcast_in_dim3A_2, %slice3A in 1 : vector<1600x1xi32>, vector<1600x127xi32> -> vector<1600x128xi32>
    %add3A = arith.addi %get3A_1, %concatenate3A : vector<1600x128xi32>
    %broadcast_in_dim3A_3 = arith.constant 0 : i32
    %broadcast_in_dim3A_4 = vector.broadcast %broadcast_in_dim3A_3 : i32 to vector<1600x2xi32>
    %slice3A_5 = vector.extract_strided_slice %add3A {offsets = [0, 0], sizes = [1600, 126], strides = [1, 1]} : vector<1600x128xi32> to vector<1600x126xi32>
    %concatenate3A_6 = tpu.concatenate %broadcast_in_dim3A_4, %slice3A_5 in 1 : vector<1600x2xi32>, vector<1600x126xi32> -> vector<1600x128xi32>
    %add3A_7 = arith.addi %add3A, %concatenate3A_6 : vector<1600x128xi32>
    %broadcast_in_dim3A_8 = arith.constant 0 : i32
    %broadcast_in_dim3A_9 = vector.broadcast %broadcast_in_dim3A_8 : i32 to vector<1600x4xi32>
    %slice3A_10 = vector.extract_strided_slice %add3A_7 {offsets = [0, 0], sizes = [1600, 124], strides = [1, 1]} : vector<1600x128xi32> to vector<1600x124xi32>
    %concatenate3A_11 = tpu.concatenate %broadcast_in_dim3A_9, %slice3A_10 in 1 : vector<1600x4xi32>, vector<1600x124xi32> -> vector<1600x128xi32>
    %add3A_12 = arith.addi %add3A_7, %concatenate3A_11 : vector<1600x128xi32>
    %broadcast_in_dim3A_13 = arith.constant 0 : i32
    %broadcast_in_dim3A_14 = vector.broadcast %broadcast_in_dim3A_13 : i32 to vector<1600x8xi32>
    %slice3A_15 = vector.extract_strided_slice %add3A_12 {offsets = [0, 0], sizes = [1600, 120], strides = [1, 1]} : vector<1600x128xi32> to vector<1600x120xi32>
    %concatenate3A_16 = tpu.concatenate %broadcast_in_dim3A_14, %slice3A_15 in 1 : vector<1600x8xi32>, vector<1600x120xi32> -> vector<1600x128xi32>
    %add3A_17 = arith.addi %add3A_12, %concatenate3A_16 : vector<1600x128xi32>
    %broadcast_in_dim3A_18 = arith.constant 0 : i32
    %broadcast_in_dim3A_19 = vector.broadcast %broadcast_in_dim3A_18 : i32 to vector<1600x16xi32>
    %slice3A_20 = vector.extract_strided_slice %add3A_17 {offsets = [0, 0], sizes = [1600, 112], strides = [1, 1]} : vector<1600x128xi32> to vector<1600x112xi32>
    %concatenate3A_21 = tpu.concatenate %broadcast_in_dim3A_19, %slice3A_20 in 1 : vector<1600x16xi32>, vector<1600x112xi32> -> vector<1600x128xi32>
    %add3A_22 = arith.addi %add3A_17, %concatenate3A_21 : vector<1600x128xi32>
    %broadcast_in_dim3A_23 = arith.constant 0 : i32
    %broadcast_in_dim3A_24 = vector.broadcast %broadcast_in_dim3A_23 : i32 to vector<1600x32xi32>
    %slice3A_25 = vector.extract_strided_slice %add3A_22 {offsets = [0, 0], sizes = [1600, 96], strides = [1, 1]} : vector<1600x128xi32> to vector<1600x96xi32>
    %concatenate3A_26 = tpu.concatenate %broadcast_in_dim3A_24, %slice3A_25 in 1 : vector<1600x32xi32>, vector<1600x96xi32> -> vector<1600x128xi32>
    %add3A_27 = arith.addi %add3A_22, %concatenate3A_26 : vector<1600x128xi32>
    %broadcast_in_dim3A_28 = arith.constant 0 : i32
    %broadcast_in_dim3A_29 = vector.broadcast %broadcast_in_dim3A_28 : i32 to vector<1600x64xi32>
    %slice3A_30 = vector.extract_strided_slice %add3A_27 {offsets = [0, 0], sizes = [1600, 64], strides = [1, 1]} : vector<1600x128xi32> to vector<1600x64xi32>
    %concatenate3A_31 = tpu.concatenate %broadcast_in_dim3A_29, %slice3A_30 in 1 : vector<1600x64xi32>, vector<1600x64xi32> -> vector<1600x128xi32>
    %add3A_32 = arith.addi %add3A_27, %concatenate3A_31 : vector<1600x128xi32>
    %slice3A_33 = vector.extract_strided_slice %add3A_32 {offsets = [0, 127], sizes = [1600, 1], strides = [1, 1]} : vector<1600x128xi32> to vector<1600x1xi32>
    %broadcast_in_dim3A_34 = arith.constant 0 : i32
    %broadcast_in_dim3A_35 = vector.broadcast %broadcast_in_dim3A_34 : i32 to vector<1x1xi32>
    %slice3A_36 = vector.extract_strided_slice %slice3A_33 {offsets = [0, 0], sizes = [1599, 1], strides = [1, 1]} : vector<1600x1xi32> to vector<1599x1xi32>
    %concatenate3A_37 = tpu.concatenate %broadcast_in_dim3A_35, %slice3A_36 in 0 : vector<1x1xi32>, vector<1599x1xi32> -> vector<1600x1xi32>
    %add3A_38 = arith.addi %slice3A_33, %concatenate3A_37 : vector<1600x1xi32>
    %broadcast_in_dim3A_39 = arith.constant 0 : i32
    %broadcast_in_dim3A_40 = vector.broadcast %broadcast_in_dim3A_39 : i32 to vector<2x1xi32>
    %slice3A_41 = vector.extract_strided_slice %add3A_38 {offsets = [0, 0], sizes = [1598, 1], strides = [1, 1]} : vector<1600x1xi32> to vector<1598x1xi32>
    %concatenate3A_42 = tpu.concatenate %broadcast_in_dim3A_40, %slice3A_41 in 0 : vector<2x1xi32>, vector<1598x1xi32> -> vector<1600x1xi32>
    %add3A_43 = arith.addi %add3A_38, %concatenate3A_42 : vector<1600x1xi32>
    %broadcast_in_dim3A_44 = arith.constant 0 : i32
    %broadcast_in_dim3A_45 = vector.broadcast %broadcast_in_dim3A_44 : i32 to vector<4x1xi32>
    %slice3A_46 = vector.extract_strided_slice %add3A_43 {offsets = [0, 0], sizes = [1596, 1], strides = [1, 1]} : vector<1600x1xi32> to vector<1596x1xi32>
    %concatenate3A_47 = tpu.concatenate %broadcast_in_dim3A_45, %slice3A_46 in 0 : vector<4x1xi32>, vector<1596x1xi32> -> vector<1600x1xi32>
    %add3A_48 = arith.addi %add3A_43, %concatenate3A_47 : vector<1600x1xi32>
    %broadcast_in_dim3A_49 = arith.constant 0 : i32
    %broadcast_in_dim3A_50 = vector.broadcast %broadcast_in_dim3A_49 : i32 to vector<8x1xi32>
    %slice3A_51 = vector.extract_strided_slice %add3A_48 {offsets = [0, 0], sizes = [1592, 1], strides = [1, 1]} : vector<1600x1xi32> to vector<1592x1xi32>
    %concatenate3A_52 = tpu.concatenate %broadcast_in_dim3A_50, %slice3A_51 in 0 : vector<8x1xi32>, vector<1592x1xi32> -> vector<1600x1xi32>
    %add3A_53 = arith.addi %add3A_48, %concatenate3A_52 : vector<1600x1xi32>
    %broadcast_in_dim3A_54 = arith.constant 0 : i32
    %broadcast_in_dim3A_55 = vector.broadcast %broadcast_in_dim3A_54 : i32 to vector<16x1xi32>
    %slice3A_56 = vector.extract_strided_slice %add3A_53 {offsets = [0, 0], sizes = [1584, 1], strides = [1, 1]} : vector<1600x1xi32> to vector<1584x1xi32>
    %concatenate3A_57 = tpu.concatenate %broadcast_in_dim3A_55, %slice3A_56 in 0 : vector<16x1xi32>, vector<1584x1xi32> -> vector<1600x1xi32>
    %add3A_58 = arith.addi %add3A_53, %concatenate3A_57 : vector<1600x1xi32>
    %broadcast_in_dim3A_59 = arith.constant 0 : i32
    %broadcast_in_dim3A_60 = vector.broadcast %broadcast_in_dim3A_59 : i32 to vector<32x1xi32>
    %slice3A_61 = vector.extract_strided_slice %add3A_58 {offsets = [0, 0], sizes = [1568, 1], strides = [1, 1]} : vector<1600x1xi32> to vector<1568x1xi32>
    %concatenate3A_62 = tpu.concatenate %broadcast_in_dim3A_60, %slice3A_61 in 0 : vector<32x1xi32>, vector<1568x1xi32> -> vector<1600x1xi32>
    %add3A_63 = arith.addi %add3A_58, %concatenate3A_62 : vector<1600x1xi32>
    %broadcast_in_dim3A_64 = arith.constant 0 : i32
    %broadcast_in_dim3A_65 = vector.broadcast %broadcast_in_dim3A_64 : i32 to vector<64x1xi32>
    %slice3A_66 = vector.extract_strided_slice %add3A_63 {offsets = [0, 0], sizes = [1536, 1], strides = [1, 1]} : vector<1600x1xi32> to vector<1536x1xi32>
    %concatenate3A_67 = tpu.concatenate %broadcast_in_dim3A_65, %slice3A_66 in 0 : vector<64x1xi32>, vector<1536x1xi32> -> vector<1600x1xi32>
    %add3A_68 = arith.addi %add3A_63, %concatenate3A_67 : vector<1600x1xi32>
    %broadcast_in_dim3A_69 = arith.constant 0 : i32
    %broadcast_in_dim3A_70 = vector.broadcast %broadcast_in_dim3A_69 : i32 to vector<128x1xi32>
    %slice3A_71 = vector.extract_strided_slice %add3A_68 {offsets = [0, 0], sizes = [1472, 1], strides = [1, 1]} : vector<1600x1xi32> to vector<1472x1xi32>
    %concatenate3A_72 = tpu.concatenate %broadcast_in_dim3A_70, %slice3A_71 in 0 : vector<128x1xi32>, vector<1472x1xi32> -> vector<1600x1xi32>
    %add3A_73 = arith.addi %add3A_68, %concatenate3A_72 : vector<1600x1xi32>
    %broadcast_in_dim3A_74 = arith.constant 0 : i32
    %broadcast_in_dim3A_75 = vector.broadcast %broadcast_in_dim3A_74 : i32 to vector<256x1xi32>
    %slice3A_76 = vector.extract_strided_slice %add3A_73 {offsets = [0, 0], sizes = [1344, 1], strides = [1, 1]} : vector<1600x1xi32> to vector<1344x1xi32>
    %concatenate3A_77 = tpu.concatenate %broadcast_in_dim3A_75, %slice3A_76 in 0 : vector<256x1xi32>, vector<1344x1xi32> -> vector<1600x1xi32>
    %add3A_78 = arith.addi %add3A_73, %concatenate3A_77 : vector<1600x1xi32>
    %broadcast_in_dim3A_79 = arith.constant 0 : i32
    %broadcast_in_dim3A_80 = vector.broadcast %broadcast_in_dim3A_79 : i32 to vector<512x1xi32>
    %slice3A_81 = vector.extract_strided_slice %add3A_78 {offsets = [0, 0], sizes = [1088, 1], strides = [1, 1]} : vector<1600x1xi32> to vector<1088x1xi32>
    %concatenate3A_82 = tpu.concatenate %broadcast_in_dim3A_80, %slice3A_81 in 0 : vector<512x1xi32>, vector<1088x1xi32> -> vector<1600x1xi32>
    %add3A_83 = arith.addi %add3A_78, %concatenate3A_82 : vector<1600x1xi32>
    %broadcast_in_dim3A_84 = arith.constant 0 : i32
    %broadcast_in_dim3A_85 = vector.broadcast %broadcast_in_dim3A_84 : i32 to vector<1024x1xi32>
    %slice3A_86 = vector.extract_strided_slice %add3A_83 {offsets = [0, 0], sizes = [576, 1], strides = [1, 1]} : vector<1600x1xi32> to vector<576x1xi32>
    %concatenate3A_87 = tpu.concatenate %broadcast_in_dim3A_85, %slice3A_86 in 0 : vector<1024x1xi32>, vector<576x1xi32> -> vector<1600x1xi32>
    %add3A_88 = arith.addi %add3A_83, %concatenate3A_87 : vector<1600x1xi32>
    %sub3A = arith.subi %add3A_88, %slice3A_33 : vector<1600x1xi32>
    %add3A_89 = vector.broadcast %sub3A : vector<1600x1xi32> to vector<1600x128xi32>
    %add3A_90 = arith.addi %add3A_32, %add3A_89 : vector<1600x128xi32>
    %sub3A_91 = arith.constant 1 : i32
    %sub3A_92 = vector.broadcast %sub3A_91 : i32 to vector<1600x128xi32>
    %sub3A_93 = arith.subi %add3A_90, %sub3A_92 : vector<1600x128xi32>
    %swap3A = arith.constant 0 : index
    %swap3A_94 = arith.constant 0 : index
    %swap3A_95 = vector.load %arg1[%swap3A, %swap3A_94] : memref<1600x128xi32, #tpu.memory_space<vmem>>, vector<1600x128xi32>
    tpu.vector_store %arg1[%swap3A, %swap3A_94], %sub3A_93 {strides = array<i32>} : memref<1600x128xi32, #tpu.memory_space<vmem>>, vector<1600x128xi32>,
    return
  }
}

module attributes {stable_mosaic.version = 14 : i64} {
  func.func @_transpose_pack_body(%arg0: i32, %arg1: memref<64x8192xf32, #tpu.memory_space<vmem>>, %arg2: memref<64x8192xf32, #tpu.memory_space<vmem>>, %arg3: memref<8192x128xf32, #tpu.memory_space<vmem>>) attributes {dimension_semantics = [#tpu.dimension_semantics<arbitrary>], iteration_bounds = array<i64: 62>, scalar_prefetch = 0 : i64, scratch_operands = 0 : i64, tpu.core_type = #tpu.core_type<tc>, window_params = [{transform_indices = @transform_0, window_bounds = array<i64: 64, 8192>}, {transform_indices = @transform_1, window_bounds = array<i64: 64, 8192>}, {transform_indices = @transform_2, window_bounds = array<i64: 8192, 128>}]} {
    %get3A = arith.constant 0 : index
    %get3A_0 = arith.constant 0 : index
    %get3A_1 = vector.load %arg1[%get3A, %get3A_0] : memref<64x8192xf32, #tpu.memory_space<vmem>>, vector<64x8192xf32>
    %transpose3A = tpu.transpose %get3A_1, [1, 0] : vector<64x8192xf32> -> vector<8192x64xf32>
    %get3A_2 = arith.constant 0 : index
    %get3A_3 = arith.constant 0 : index
    %get3A_4 = vector.load %arg2[%get3A_2, %get3A_3] : memref<64x8192xf32, #tpu.memory_space<vmem>>, vector<64x8192xf32>
    %transpose3A_5 = tpu.transpose %get3A_4, [1, 0] : vector<64x8192xf32> -> vector<8192x64xf32>
    %concatenate3A = tpu.concatenate %transpose3A, %transpose3A_5 in 1 : vector<8192x64xf32>, vector<8192x64xf32> -> vector<8192x128xf32>
    %swap3A = arith.constant 0 : index
    %swap3A_6 = arith.constant 0 : index
    %swap3A_7 = vector.load %arg3[%swap3A, %swap3A_6] : memref<8192x128xf32, #tpu.memory_space<vmem>>, vector<8192x128xf32>
    tpu.vector_store %arg3[%swap3A, %swap3A_6], %concatenate3A {strides = array<i32>} : memref<8192x128xf32, #tpu.memory_space<vmem>>, vector<8192x128xf32>,
    return
  }
  func.func @transform_0(%arg0: i32) -> (i32, i32) {
    %c0_i32 = arith.constant 0 : i32
    %c0_i32_0 = arith.constant 0 : i32
    return %c0_i32, %arg0 : i32, i32
  }
  func.func @transform_1(%arg0: i32) -> (i32, i32) {
    %add3A = arith.constant 62 : i32
    %add3A_0 = arith.addi %arg0, %add3A : i32
    %min3A = arith.constant 122 : i32
    %min3A_1 = arith.minsi %add3A_0, %min3A : i32
    %c0_i32 = arith.constant 0 : i32
    %c0_i32_2 = arith.constant 0 : i32
    return %c0_i32, %min3A_1 : i32, i32
  }
  func.func @transform_2(%arg0: i32) -> (i32, i32) {
    %c0_i32 = arith.constant 0 : i32
    %c0_i32_0 = arith.constant 0 : i32
    return %arg0, %c0_i32 : i32, i32
  }
}

module attributes {stable_mosaic.version = 14 : i64} {
  func.func @_mlp_body(%arg0: i32, %arg1: memref<2x512x64xf32, #tpu.memory_space<vmem>>, %arg2: memref<2x512x64xf32, #tpu.memory_space<vmem>>, %arg3: memref<512x1xf32, #tpu.memory_space<vmem>>, %arg4: memref<64x256xf32, #tpu.memory_space<vmem>>, %arg5: memref<1x256xf32, #tpu.memory_space<vmem>>, %arg6: memref<256x4xf32, #tpu.memory_space<vmem>>, %arg7: memref<1x4xf32, #tpu.memory_space<vmem>>, %arg8: memref<512x4xf32, #tpu.memory_space<vmem>>) attributes {dimension_semantics = [#tpu.dimension_semantics<arbitrary>], iteration_bounds = array<i64: 8>, scalar_prefetch = 0 : i64, scratch_operands = 0 : i64, tpu.core_type = #tpu.core_type<tc>, window_params = [{transform_indices = @transform_0, window_bounds = array<i64: 2, 512, 64>}, {transform_indices = @transform_1, window_bounds = array<i64: 2, 512, 64>}, {transform_indices = @transform_2, window_bounds = array<i64: 512, 1>}, {pipeline_mode = #tpu.pipeline_mode<synchronous>, transform_indices = @transform_3, window_bounds = array<i64: 64, 256>}, {pipeline_mode = #tpu.pipeline_mode<synchronous>, transform_indices = @transform_4, window_bounds = array<i64: 1, 256>}, {pipeline_mode = #tpu.pipeline_mode<synchronous>, transform_indices = @transform_5, window_bounds = array<i64: 256, 4>}, {pipeline_mode = #tpu.pipeline_mode<synchronous>, transform_indices = @transform_6, window_bounds = array<i64: 1, 4>}, {transform_indices = @transform_7, window_bounds = array<i64: 512, 4>}]} {
    %get3A = arith.constant 0 : index
    %get3A_0 = arith.constant 0 : index
    %get3A_1 = arith.constant 0 : index
    %get3A_2 = vector.load %arg1[%get3A, %get3A_0, %get3A_1] : memref<2x512x64xf32, #tpu.memory_space<vmem>>, vector<1x512x64xf32>
    %get3A_3 = vector.shape_cast %get3A_2 : vector<1x512x64xf32> to vector<512x64xf32>
    %get3A_4 = arith.constant 1 : index
    %get3A_5 = arith.constant 0 : index
    %get3A_6 = arith.constant 0 : index
    %get3A_7 = vector.load %arg1[%get3A_4, %get3A_5, %get3A_6] : memref<2x512x64xf32, #tpu.memory_space<vmem>>, vector<1x512x64xf32>
    %get3A_8 = vector.shape_cast %get3A_7 : vector<1x512x64xf32> to vector<512x64xf32>
    %add3A = arith.addf %get3A_3, %get3A_8 : vector<512x64xf32>
    %get3A_9 = arith.constant 0 : index
    %get3A_10 = arith.constant 0 : index
    %get3A_11 = arith.constant 0 : index
    %get3A_12 = vector.load %arg2[%get3A_9, %get3A_10, %get3A_11] : memref<2x512x64xf32, #tpu.memory_space<vmem>>, vector<1x512x64xf32>
    %get3A_13 = vector.shape_cast %get3A_12 : vector<1x512x64xf32> to vector<512x64xf32>
    %add3A_14 = arith.addf %add3A, %get3A_13 : vector<512x64xf32>
    %get3A_15 = arith.constant 1 : index
    %get3A_16 = arith.constant 0 : index
    %get3A_17 = arith.constant 0 : index
    %get3A_18 = vector.load %arg2[%get3A_15, %get3A_16, %get3A_17] : memref<2x512x64xf32, #tpu.memory_space<vmem>>, vector<1x512x64xf32>
    %get3A_19 = vector.shape_cast %get3A_18 : vector<1x512x64xf32> to vector<512x64xf32>
    %add3A_20 = arith.addf %add3A_14, %get3A_19 : vector<512x64xf32>
    %get3A_21 = arith.constant 0 : index
    %get3A_22 = arith.constant 0 : index
    %get3A_23 = vector.load %arg3[%get3A_21, %get3A_22] : memref<512x1xf32, #tpu.memory_space<vmem>>, vector<512x1xf32>
    %max3A = arith.constant 1.000000e+00 : f32
    %max3A_24 = vector.broadcast %max3A : f32 to vector<512x1xf32>
    %max3A_25 = arith.maximumf %get3A_23, %max3A_24 : vector<512x1xf32>
    %div3A = vector.broadcast %max3A_25 : vector<512x1xf32> to vector<512x64xf32>
    %div3A_26 = arith.divf %add3A_20, %div3A : vector<512x64xf32>
    %get3A_27 = arith.constant 0 : index
    %get3A_28 = arith.constant 0 : index
    %get3A_29 = vector.load %arg4[%get3A_27, %get3A_28] : memref<64x256xf32, #tpu.memory_space<vmem>>, vector<64x256xf32>
    %dot_general3A = arith.constant dense<0.000000e+00> : vector<512x256xf32>
    %dot_general3A_30 = tpu.matmul %div3A_26, %get3A_29, %dot_general3A {dimension_numbers = #tpu.dot_dimension_numbers<[1], [0], [0], [1], [0, 0, 1, 1], [], []>, transpose_lhs_hint = false} : vector<512x64xf32>, vector<64x256xf32>, vector<512x256xf32> -> vector<512x256xf32>
    %get3A_31 = arith.constant 0 : index
    %get3A_32 = arith.constant 0 : index
    %get3A_33 = vector.load %arg5[%get3A_31, %get3A_32] : memref<1x256xf32, #tpu.memory_space<vmem>>, vector<1x256xf32>
    %add3A_34 = vector.broadcast %get3A_33 : vector<1x256xf32> to vector<512x256xf32>
    %add3A_35 = arith.addf %dot_general3A_30, %add3A_34 : vector<512x256xf32>
    %max3A_36 = arith.constant 0.000000e+00 : f32
    %max3A_37 = vector.broadcast %max3A_36 : f32 to vector<512x256xf32>
    %max3A_38 = arith.maximumf %add3A_35, %max3A_37 : vector<512x256xf32>
    %get3A_39 = arith.constant 0 : index
    %get3A_40 = arith.constant 0 : index
    %get3A_41 = vector.load %arg6[%get3A_39, %get3A_40] : memref<256x4xf32, #tpu.memory_space<vmem>>, vector<256x4xf32>
    %dot_general3A_42 = arith.constant dense<0.000000e+00> : vector<512x4xf32>
    %dot_general3A_43 = tpu.matmul %max3A_38, %get3A_41, %dot_general3A_42 {dimension_numbers = #tpu.dot_dimension_numbers<[1], [0], [0], [1], [0, 0, 1, 1], [], []>, transpose_lhs_hint = false} : vector<512x256xf32>, vector<256x4xf32>, vector<512x4xf32> -> vector<512x4xf32>
    %get3A_44 = arith.constant 0 : index
    %get3A_45 = arith.constant 0 : index
    %get3A_46 = vector.load %arg7[%get3A_44, %get3A_45] : memref<1x4xf32, #tpu.memory_space<vmem>>, vector<1x4xf32>
    %add3A_47 = vector.broadcast %get3A_46 : vector<1x4xf32> to vector<512x4xf32>
    %add3A_48 = arith.addf %dot_general3A_43, %add3A_47 : vector<512x4xf32>
    %swap3A = arith.constant 0 : index
    %swap3A_49 = arith.constant 0 : index
    %swap3A_50 = vector.load %arg8[%swap3A, %swap3A_49] : memref<512x4xf32, #tpu.memory_space<vmem>>, vector<512x4xf32>
    tpu.vector_store %arg8[%swap3A, %swap3A_49], %add3A_48 {strides = array<i32>} : memref<512x4xf32, #tpu.memory_space<vmem>>, vector<512x4xf32>,
    return
  }
  func.func @transform_0(%arg0: i32) -> (i32, i32, i32) {
    %c0_i32 = arith.constant 0 : i32
    %c0_i32_0 = arith.constant 0 : i32
    %c0_i32_1 = arith.constant 0 : i32
    return %c0_i32, %arg0, %c0_i32_0 : i32, i32, i32
  }
  func.func @transform_1(%arg0: i32) -> (i32, i32, i32) {
    %c0_i32 = arith.constant 0 : i32
    %c0_i32_0 = arith.constant 0 : i32
    %c0_i32_1 = arith.constant 0 : i32
    return %c0_i32, %arg0, %c0_i32_0 : i32, i32, i32
  }
  func.func @transform_2(%arg0: i32) -> (i32, i32) {
    %c0_i32 = arith.constant 0 : i32
    %c0_i32_0 = arith.constant 0 : i32
    return %arg0, %c0_i32 : i32, i32
  }
  func.func @transform_3(%arg0: i32) -> (i32, i32) {
    %c0_i32 = arith.constant 0 : i32
    %c0_i32_0 = arith.constant 0 : i32
    %c0_i32_1 = arith.constant 0 : i32
    return %c0_i32, %c0_i32_0 : i32, i32
  }
  func.func @transform_4(%arg0: i32) -> (i32, i32) {
    %c0_i32 = arith.constant 0 : i32
    %c0_i32_0 = arith.constant 0 : i32
    %c0_i32_1 = arith.constant 0 : i32
    return %c0_i32, %c0_i32_0 : i32, i32
  }
  func.func @transform_5(%arg0: i32) -> (i32, i32) {
    %c0_i32 = arith.constant 0 : i32
    %c0_i32_0 = arith.constant 0 : i32
    %c0_i32_1 = arith.constant 0 : i32
    return %c0_i32, %c0_i32_0 : i32, i32
  }
  func.func @transform_6(%arg0: i32) -> (i32, i32) {
    %c0_i32 = arith.constant 0 : i32
    %c0_i32_0 = arith.constant 0 : i32
    %c0_i32_1 = arith.constant 0 : i32
    return %c0_i32, %c0_i32_0 : i32, i32
  }
  func.func @transform_7(%arg0: i32) -> (i32, i32) {
    %c0_i32 = arith.constant 0 : i32
    %c0_i32_0 = arith.constant 0 : i32
    return %arg0, %c0_i32 : i32, i32
  }
}

</mosaic_0001>

<sc_bundles>
// kernel: kernel.6.cloned.1.call-start
scs
__scs_entry_jumppad:
0x0: {  	(pc) =	sbr.rel $0x88, $3  }
0x1: {  	(tag) =	ssettag $0x0;
	lr =	simm.s32 $0x1  }
0x2: {  	[smem:$0x3F9A] =	sst lr;
	_ =	strace $0xD0000000  }
0x3: {  	_ = 	snop  }
0x4: {  	_ = 	snop  }
0x5: {  	_ = 	snop  }
0x6: {  	_ = 	snop  }
0x7: {  	_ = 	snop  }
__scs_overlays_trampoline_lowered:
0x8: {  	[smem:$0x3FA9] =	sst s0  }
0x9: {  	[smem:$0x3FAA] =	sst s1  }
0xa: {  	[smem:$0x3FAB] =	sst s2  }
0xb: {  	[smem:$0x3FAC] =	sst s3  }
0xc: {  	[smem:$0x3FAD] =	sst s4  }
0xd: {  	[smem:$0x3FAE] =	sst s5  }
0xe: {  	[smem:$0x3FAF] =	sst s6  }
0xf: {  	[smem:$0x3FB0] =	sst s7  }
0x10: {  	[smem:$0x3FB1] =	sst s8  }
0x11: {  	[smem:$0x3FB2] =	sst s9;
	s0 =	simm.s32 @!p0 $0x0  }
0x12: {  	s1 =	sld [smem:$0x3F98];
	s0 =	simm.s32 @p0 $0x1  }
0x13: {  	[smem:$0x3FB3] =	sst s0;
	s0 =	simm.s32 @!p1 $0x0  }
0x14: {  	s2 =	sld [smem:$0x3F97];
	s0 =	simm.s32 @p1 $0x1  }
0x15: {  	[smem:$0x3FB4] =	sst s0;
	s0 =	simm.s32 @!p2 $0x0  }
0x16: {  	s3 =	sld [smem:$0x3FDB];
	s0 =	simm.s32 @p2 $0x1  }
0x17: {  	s4 =	simm.s32 $0x1BF5;
	[smem:$0x3FB6] =	sst s0  }
0x18: {  	s0 =	sld [smem:$0x3F99];
	_ =	swait.ge [sflag:s4], $0x0  }
0x19: {  	s7 =	sld [smem:$0x3F9A]  }
0x1a: {  	s8 =	sadd.s32 $0xFFFFE003, lr  }
0x1b: {  	s9 =	sadd.s32 $0xFFFFFEF7, lr;
	s5 =	simm.s32 $0xFFFFFFFF;
	p2 =	slt.u32 s8, $0xFFFFF086  }
0x1c: {  	p1 =	slt.u32 s9, $0xF7A;
	s5 =	simm.s32 @!p2 $0x0  }
0x1d: {  	s5 =	simm.s32 @p1 $0x1;
	p0 =	seq.s32 s7, s2  }
0x1e: {  	s7 =	smul.u32 @!p0 $0xF7A, s2;
	p2 =	seq.s32 @!p0 s5, $0x0  }
0x1f: {  	s9 =	smul.u32 $0xF7A, s1;
	s8 =	simm.s32 @!p0 $0x1BF5;
	p2 =	por !p2, p0  }
0x20: {  	[sflag:s8] =	ssyncset.s32 @!p0 $0xFFFFF086;
	s6 =	sadd.s32 @!p0 s3, s7;
	s7 =	simm.s32 @!p0 $0x108  }
0x21: {  	s3 =	sadd.s32 s3, s9;
	s6 =	sadd.s32 @!p0 $0x88, s6;
	s7 =	simm.s32 @p2 $0x1082  }
0x22: {  	[simem:s7], [sflag:s8] =	dma.local @!p0 [hbm:s6], $0xF7A  }
0x23: {  	s9 =	sor.u32 $0xD0000000, s2;
	s6 =	simm.s32 $0x108;
	_ =	swait.ge @!p0 [sflag:s8], $0x0  }
0x24: {  	s3 =	sadd.s32 $0x88, s3;
	s6 =	simm.s32 @!p1 $0x1082;
	[sflag:s4] =	ssyncset.s32 $0xFFFFF086  }
0x25: {  	[simem:s6], [sflag:s4] =	dma.local [hbm:s3], $0xF7A  }
0x26: {  	[smem:$0x3F9A] =	sst s1;
	(tag) =	ssettag s2;
	_ =	strace s9  }
0x27: {  	s1 =	sld [smem:$0x3FAA]  }
0x28: {  	s2 =	sld [smem:$0x3FAB]  }
0x29: {  	s4 =	sld [smem:$0x3FAD]  }
0x2a: {  	p0 =	seq.s32 s5, $0x0;
	s5 =	sld [smem:$0x3FAE]  }
0x2b: {  	s6 =	sld [smem:$0x3FAF]  }
0x2c: {  	s7 =	sld [smem:$0x3FB0]  }
0x2d: {  	s3 =	simm.s32 $0x108;
	s8 =	sld [smem:$0x3FB1]  }
0x2e: {  	s3 =	simm.s32 @!p0 $0x1082;
	s9 =	sld [smem:$0x3FB2]  }
0x2f: {  	lr =	sadd.s32 s0, s3;
	s0 =	sld [smem:$0x3FA9]  }
0x30: {  	s3 =	sld [smem:$0x3FAC]  }
0x31: {  	[smem:$0x3FB5] =	sst s10  }
0x32: {  	s10 =	sld [smem:$0x3FB3];
	_ =	sdelay $0x3  }
0x33: {  	p0 =	seq.s32 s10, $0x1;
	s10 =	sld [smem:$0x3FB5];
	_ =	sdelay $0x3  }
0x34: {  	[smem:$0x3FB5] =	sst s10  }
0x35: {  	s10 =	sld [smem:$0x3FB4];
	_ =	sdelay $0x3  }
0x36: {  	p1 =	seq.s32 s10, $0x1;
	s10 =	sld [smem:$0x3FB5];
	_ =	sdelay $0x3  }
0x37: {  	[smem:$0x3FB5] =	sst s10  }
0x38: {  	s10 =	sld [smem:$0x3FB6]  }
0x39: {  	_ = 	snop;
	(pc) =	sbr.ind lr, $3  }
0x3a: {  	_ = 	snop  }
0x3b: {  	_ = 	snop  }
0x3c: {  	p2 =	seq.s32 s10, $0x1;
	s10 =	sld [smem:$0x3FB5]  }
0x3d: {  	_ =	shalt  }
0x3e: {  	_ =	shalt  }
0x3f: {  	_ =	shalt  }
0x40: {  	_ =	shalt  }
0x41: {  	_ =	shalt  }
0x42: {  	_ =	shalt  }
0x43: {  	_ =	shalt  }
0x44: {  	_ =	shalt  }
0x45: {  	_ =	shalt  }
0x46: {  	_ =	shalt  }
0x47: {  	_ =	shalt  }
0x48: {  	_ =	shalt  }
0x49: {  	_ =	shalt  }
0x4a: {  	_ =	shalt  }
0x4b: {  	_ =	shalt  }
0x4c: {  	_ =	shalt  }
0x4d: {  	_ =	shalt  }
0x4e: {  	_ =	shalt  }
0x4f: {  	_ =	shalt  }
0x50: {  	_ =	shalt  }
0x51: {  	_ =	shalt  }
0x52: {  	_ =	shalt  }
0x53: {  	_ =	shalt  }
0x54: {  	_ =	shalt  }
0x55: {  	_ =	shalt  }
0x56: {  	_ =	shalt  }
0x57: {  	_ =	shalt  }
0x58: {  	_ =	shalt  }
0x59: {  	_ =	shalt  }
0x5a: {  	_ =	shalt  }
0x5b: {  	_ =	shalt  }
0x5c: {  	_ =	shalt  }
0x5d: {  	_ =	shalt  }
0x5e: {  	_ =	shalt  }
0x5f: {  	_ =	shalt  }
0x60: {  	_ =	shalt  }
0x61: {  	_ =	shalt  }
0x62: {  	_ =	shalt  }
0x63: {  	_ =	shalt  }
0x64: {  	_ =	shalt  }
0x65: {  	_ =	shalt  }
0x66: {  	_ =	shalt  }
0x67: {  	_ =	shalt  }
0x68: {  	_ =	shalt  }
0x69: {  	_ =	shalt  }
0x6a: {  	_ =	shalt  }
0x6b: {  	_ =	shalt  }
0x6c: {  	_ =	shalt  }
0x6d: {  	_ =	shalt  }
0x6e: {  	_ =	shalt  }
0x6f: {  	_ =	shalt  }
0x70: {  	_ =	shalt  }
0x71: {  	_ =	shalt  }
0x72: {  	_ =	shalt  }
0x73: {  	_ =	shalt  }
0x74: {  	_ =	shalt  }
0x75: {  	_ =	shalt  }
0x76: {  	_ =	shalt  }
0x77: {  	_ =	shalt  }
0x78: {  	_ =	shalt  }
0x79: {  	_ =	shalt  }
0x7a: {  	_ =	shalt  }
0x7b: {  	_ =	shalt  }
0x7c: {  	_ =	shalt  }
0x7d: {  	_ =	shalt  }
0x7e: {  	_ =	shalt  }
0x7f: {  	_ =	shalt  }
0x80: {  	_ =	shalt  }
0x81: {  	_ =	shalt  }
0x82: {  	_ =	shalt  }
0x83: {  	_ =	shalt  }
0x84: {  	_ =	shalt  }
0x85: {  	_ =	shalt  }
0x86: {  	_ =	shalt  }
0x87: {  	_ =	shalt  }
.Lfunc_end0:
.L_simem_size_0:
called_computation.1_lowered:
.L_overlay_start_0:
0x88: {  	s2 =	sld [smem:$0x3FD9]  }
0x89: {  	s3 =	sld [smem:$0x3FFE];
	_ =	sdelay $0x1  }
0x8a: {  	s1 =	srdreg.scid  }
0x8b: {  	s0 =	sand.u32 $0x1, s1  }
0x8c: {  	s16 =	sshll.u32 s0, $0xA;
	s2 =	sadd.s32 s3, s2  }
0x8d: {  	s2 =	sadd.s32 s2, s16  }
0x8e: {  	[smem:$0x3FC1] =	sst s2  }
0x8f: {  	_ = 	snop  }
0x90: {  	(tm) =	ssettm $0x1  }
0x91: {  	s17 =	sld [smem:$0x3FFB];
	_ =	sdelay $0x3  }
0x92: {  	_ =	strace s17  }
0x93: {  	s2 =	sld [smem:$0x3FFC];
	_ =	sdelay $0x3  }
0x94: {  	_ =	strace s2  }
0x95: {  	s2 =	sld [smem:$0x3FFD];
	_ =	sdelay $0x3  }
0x96: {  	_ =	strace s2  }
0x97: {  	_ =	strace $0x8FFFFFFF  }
0x98: {  	s18 =	sld [smem:$0x3FDB];
	_ =	sdelay $0x1  }
0x99: {  	s19 =	simm.s32 $_scs_section_size  }
0x9a: {  	s4 =	simm.s32 $_size__tile_overlayer_lowered;
	s5 =	simm.s32 $_tile_overlayer_lowered  }
0x9b: {  	s22 =	simm.s32 $0x1BFF;
	s21 =	sshll.u32 s5, $0x1;
	s2 =	sadd.s32 s19, s18  }
0x9c: {  	s6 =	simm.s32 $0x0;
	s20 =	sshll.u32 s4, $0x1;
	s4 =	sadd.s32 s21, s2  }
0x9d: {  	[timem:s6], [sflag:s22] =	dma.local [hbm:s4], s20  }
0x9e: {  	_ =	swait.ge [sflag:s22], s20  }
0x9f: {  	s3 =	ssub.s32 $0x0, s20;
	[sflag:s22] =	ssyncset.done $0x0  }
0xa0: {  	[sflag:s22] =	ssyncadd.s32 s3;
	_ =	sdelay $0x1  }
0xa1: {  	s23 =	simm.s32 $0x1B8B  }
0xa2: {  	_ =	swait.ge [sflag:s23], $0x1  }
0xa3: {  	[sflag:s23] =	ssyncset.done $0x0  }
0xa4: {  	s25 =	simm.s32 $0x1B8E;
	s24 =	sld [smem:$0x3FFE];
	[sflag:s23] =	ssyncadd.s32 $0xFFFFFFFF  }
0xa5: {  	s26 =	simm.s32 $execute0_lowered;
	[smem:$0x3FD2] =	sst s25  }
0xa6: {  	s4 =	sshll.u32 s26, $0x1;
	_ =	strace $0x80000049;
	[dreg:$0x1] =	wrdreg $0xFFFFFFFF  }
0xa7: {  	s28 =	simm.s32 $_size_execute0_lowered;
	s2 =	sadd.s32 s2, s4;
	[dreg:$0x0] =	wrdreg $0x0  }
0xa8: {  	s4 =	sshll.u32 s28, $0x1;
	[dreg:$0x2] =	wrdreg s2  }
0xa9: {  	[dreg:$0x3] =	wrdreg s4  }
0xaa: {  	[dreg:$0x4] =	wrdreg $0xC0  }
0xab: {  	_ =	task [dreg:s6], $0x5FFFF  }
0xac: {  	[dreg:$0x1] =	wrdreg $0xFFFFFFFF  }
0xad: {  	[dreg:$0x0] =	wrdreg $0x60  }
0xae: {  	[dreg:$0x2] =	wrdreg s24  }
0xaf: {  	[dreg:$0x3] =	wrdreg $0xC0800  }
0xb0: {  	[dreg:$0x4] =	wrdreg $0x9  }
0xb1: {  	_ =	task.clear_ibuf [dreg:s6], $0x5FFFF;
	_ =	strace $0x90000049  }
0xb2: {  	s29 =	simm.s32 $0x9;
	_ =	strace $0x8000004B  }
0xb3: {  	_ =	swait.ge [sflag:s29], $0x1  }
0xb4: {  	[sflag:s29] =	ssyncadd.s32 $0xFFFFFFFF  }
0xb5: {  	_ =	strace $0x9000004B  }
0xb6: {  	_ =	sfence  }
0xb7: {  	s30 =	sld [smem:$0x0];
	_ =	sdelay $0x2  }
0xb8: {  	s31 =	sshll.u32 s1, $0xD;
	s1 =	sshrl.u32 s1, $0x2  }
0xb9: {  	s3 =	sand.u32 $0x4000, s31;
	s1 =	sadd.s32 s1, s30  }
0xba: {  	s0 =	sor.u32 s3, s0;
	s1 =	sshll.u32 s1, $0x11  }
0xbb: {  	s0 =	sor.u32 s1, s0  }
0xbc: {  	s0 =	sadd.s32 $0x8F2B, s0  }
0xbd: {  	[sflag:s0] =	ssyncadd.remote.s32 $0x1  }
0xbe: {  	_ =	sfence.sel $0xFFFF  }
0xbf: {  	[dreg:$0x0] =	wrdreg $0xFFFFFFFF;
	(pc) =	sbr.abs _section_cstart, $3  }
0xc0: {  	[dreg:$0x1] =	wrdreg $0xFFFFFFFF  }
0xc1: {  	_ =	task.clear_ibuf [dreg:s6], $0x2FFFF;
	_ =	strace $0x9FFFFFFF  }
0xc2: {  	(tm) =	ssettm $0x7FFFFFFF  }
0xc3: {  	_ =	shalt  }
tec
execute0_lowered:
.L_overlay_start_1:
0x0: {  	(tag) =	ssettag $0x1  }
0x1: {  	s6 =	rddreg [dreg:$0x0]  }
0x2: {  	s0 =	srdreg.scid;
	s2 =	rddreg [dreg:$0x1];
	s3 =	simm.s32 $0x0  }
0x3: {  	s15 =	simm.s32 $0xB800;
	s16 =	simm.s32 $0x80;
	s17 =	simm.s32 $0x3800  }
0x4: {  	s18 =	simm.s32 $0x7800;
	s19 =	simm.s32 $0x1;
	s20 =	simm.s32 $0x10  }
0x5: {  	s21 =	simm.s32 $0xC000;
	s22 =	simm.s32 $0x4;
	s23 =	simm.s32 $0x2  }
0x6: {  	s24 =	simm.s32 $0x0;
	s31 =	simm.s32 $0x0;
	s7 =	sand.u32 $0x1, s0  }
0x7: {  	s0 =	stileid.u32;
	[smem:$0x7FF] =	sst s3;
	s5 =	sadd.s32 $0x7D6000, s6  }
0x8: {  	s1 =	sshll.u32 s7, $0x4;
	s9 =	ssub.s32 $0x2, s7;
	s10 =	sshll.u32 s0, $0xD  }
0x9: {  	s28 =	sshll.u32 s0, $0x10;
	s13 =	sshll.u32 s7, $0x11;
	s30 =	sshll.u32 s0, $0x6  }
0xa: {  	s4 =	sor.u32 s0, s1;
	s1 =	rddreg [dreg:$0x2];
	_ =	strace $0x8000004A  }
0xb: {  	s11 =	sshrl.u32 s9, $0x1;
	s12 =	sadd.s32 s10, s6;
	s4 =	smul.u32 $0x380, s4  }
.Ltmp0:
0xc: {  	s14 =	sadd.s32 s28, s2;
	s11 =	ssub.s32 s9, s11;
	(pc) =	sbr.rel .LBB2_1-.Ltmp0, $4  }
0xd: {  	s29 =	sadd.s32 s13, s12;
	s12 =	simm.s32 $0x1C00;
	s13 =	sor.u32 $0x1C03, s30  }
0xe: {  	s14 =	sshrl.u32 s14, $0x3;
	s9 =	sadd.s32 $0x7F6000, s29;
	s8 =	sadd.s32 s4, s6  }
0xf: {  	s4 =	sadd.s32 $0x8000, s6;
	s6 =	sadd.s32 $0x7C8000, s8;
	s7 =	sadd.s32 $0x7CF000, s8  }
0x10: {  	s8 =	sadd.s32 s5, s10;
	s10 =	smax.u32 s11, $0x1;
	s11 =	simm.s32 $0x3  }
.LBB2_13:
0x11: {  	_ =	swait.ge [sflag:s19], $0x4000  }
0x12: {  	s24 =	sadd.s32 $0x1, s24;
	[sflag:s19] =	ssyncset.done $0x0  }
0x13: {  	p0 =	sne.s32 s24, s10;
	[sflag:s19] =	ssyncadd.s32 $0xFFFFC000  }
.Ltmp1:
0x14: {  	[bflag:$0x0] =	sbarrier.arrive $0xFFFF;
	(pc) =	sbr.rel @!p0 .LBB2_14-.Ltmp1, $4  }
0x15: {  	[hbm:s9], [sflag:s13] =	dma.local [spmem:s14], $0x2000  }
0x16: {  	_ =	swait.ge [sflag:s11], $0x2000  }
0x17: {  	[sflag:s11] =	ssyncset.done $0x0  }
0x18: {  	[sflag:s11] =	ssyncadd.s32 $0xFFFFE000  }
.LBB2_1:
0x19: {  	[tilespmem:s3], [sflag:$0x3] =	stream.linear.gather [hbm4b:s6+s3], $0x1900, $0x38;
	[tilespmem:$0x1C080] =	vst v63  }
0x1a: {  	_ =	swait.ge [sflag:s11], $0x1900  }
0x1b: {  	[sflag:s11] =	ssyncset.done $0x0  }
0x1c: {  	[sflag:s11] =	ssyncadd.s32 $0xFFFFE700  }
0x1d: {  	[tilespmem:s12], [sflag:$0x3] =	stream.linear.gather [hbm4b:s7+s3], $0x1900, $0x38;
	[tilespmem:$0x1C080] =	vst v63  }
0x1e: {  	_ =	swait.ge [sflag:s11], $0x1900  }
0x1f: {  	[sflag:s11] =	ssyncset.done $0x0  }
0x20: {  	[sflag:s11] =	ssyncadd.s32 $0xFFFFE700  }
0x21: {  	[spmem:s14], [sflag:s13] =	dma.local [hbm:s8], $0x2000  }
0x22: {  	_ =	swait.ge [sflag:s11], $0x2000  }
0x23: {  	[sflag:s11] =	ssyncset.done $0x0  }
0x24: {  	[sflag:s11] =	ssyncadd.s32 $0xFFFFE000  }
0x25: {  	[tilespmem:s15], [sflag:$0x3] =	stream.linear.gather [hbm4b:s5+s3], $0x800, $0x38;
	[tilespmem:$0x1C080] =	vst v63  }
.Ltmp2:
0x26: {  	_ =	swait.ge [sflag:s11], $0x800;
	(pc) =	sbr.rel .LBB2_2-.Ltmp2, $4  }
0x27: {  	[sflag:s11] =	ssyncset.done $0x0  }
0x28: {  	[sflag:s11] =	ssyncadd.s32 $0xFFFFF800  }
0x29: {  	s25 =	simm.s32 $0x0;
	[bflag:$0x0] =	sbarrier.arrive $0xFFFF  }
0x2a: {  	[tilespmem:s17], [sflag:$0x1] =	stream.indirect.gather [hbm4b:s4+s16], $0x80, s3, s16, $0xb8;
	[tilespmem:$0x1C080] =	vst v63  }
.LBB2_11:
0x2b: {  	s26 =	sadd.s32 $0x1C00, s26  }
0x2c: {  	[spmem:s2] =	stream.indirect.scatter.add.f32 [tilespmem:s18], [sflag:$0x3], $0x80, s26, s16, $0xb8;
	[tilespmem:$0x1C080] =	vst v63  }
0x2d: {  	_ =	swait.ge [sflag:s11], $0x4000  }
0x2e: {  	[sflag:s11] =	ssyncset.done $0x0  }
0x2f: {  	[sflag:s11] =	ssyncadd.s32 $0xFFFFC000  }
.LBB2_12:
0x30: {  	s25 =	sadd.s32 $0x1, s25  }
0x31: {  	p0 =	sne.s32 s25, $0x19  }
.Ltmp3:
0x32: {  	_ = 	snop;
	(pc) =	sbr.rel @!p0 .LBB2_13-.Ltmp3, $1  }
0x33: {  	_ =	sdelay $0x3  }
.LBB2_2:
0x34: {  	s28 =	sshll.u32 s25, $0x8  }
0x35: {  	s26 =	sor.u32 $0x80, s28  }
0x36: {  	[tilespmem:s18], [sflag:$0x2] =	stream.indirect.gather [hbm4b:s4+s16], $0x80, s26, s16, $0xb8;
	[tilespmem:$0x1C080] =	vst v63  }
0x37: {  	_ =	swait.ge [sflag:s19], $0x4000  }
0x38: {  	[sflag:s19] =	ssyncset.done $0x0  }
0x39: {  	s28 =	sand.u32 $0x3FFFFF00, s28;
	[sflag:s19] =	ssyncadd.s32 $0xFFFFC000  }
0x3a: {  	v0 =	vld [tilespmem:s28+$0x1C00]  }
0x3b: {  	v1 =	vld [tilespmem:s28+$0x1C70];
	_ =	sdelay $0x3  }
0x3c: {  	(v2sf) =	vpush v0, $0x0  }
0x3d: {  	(v2sf) =	vpush v1, $0xF;
	_ =	sdelay $0xd  }
0x3e: {  	s29 =	spop (v2sf)  }
0x3f: {  	s30 =	spop (v2sf)  }
0x40: {  	p0 =	sne.s32 s29, s30  }
.Ltmp4:
0x41: {  	_ = 	snop;
	(pc) =	sbr.rel @p0 .LBB2_6-.Ltmp4, $1  }
0x42: {  	_ =	sdelay $0x3  }
0x43: {  	v0 =	vld [tilespmem:s31+$0x3870]  }
0x44: {  	v2 =	vld [tilespmem:s31+$0x3800]  }
0x45: {  	v3 =	vld [tilespmem:s31+$0x3810]  }
0x46: {  	v11 =	vld [tilespmem:s31+$0x3820]  }
0x47: {  	v10 =	vld [tilespmem:s31+$0x3830]  }
0x48: {  	v1 =	vimm.f32 $0.0e+00;
	v7 =	vld [tilespmem:s31+$0x3840];
	v6 =	vimm.f32 $0.0e+00  }
0x49: {  	v9 =	vld [tilespmem:s31+$0x3850];
	v8 =	vimm.f32 $0.0e+00;
	v4 =	vimm.f32 $0.0e+00;
	v0 =	vadd.f32 v0, v1  }
0x4a: {  	s29 =	simm.s32 $0x80;
	s30 =	simm.s32 $0x400;
	v12 =	vld [tilespmem:s31+$0x3860];
	v5 =	vadd.f32 v2, v1;
	v3 =	vadd.f32 v3, v1;
	v2 =	vimm.f32 $0.0e+00  }
.LBB2_4:
0x4b: {  	p0 =	sne.s32 s30, $0xFE00;
	v13 =	vld [tilespmem:s29+$0x3870];
	v1 =	vadd.f32 v11, v1  }
0x4c: {  	v14 =	vld [tilespmem:s29+$0x3800];
	v6 =	vadd.f32 v10, v6  }
0x4d: {  	v15 =	vld [tilespmem:s29+$0x3810];
	v8 =	vadd.f32 v7, v8  }
.Ltmp5:
0x4e: {  	v11 =	vld [tilespmem:s29+$0x3820];
	v4 =	vadd.f32 v9, v4;
	(pc) =	sbr.rel @p0 .LBB2_4-.Ltmp5, $4  }
0x4f: {  	v10 =	vld [tilespmem:s29+$0x3830];
	v2 =	vadd.f32 v12, v2  }
0x50: {  	v7 =	vld [tilespmem:s29+$0x3840];
	v0 =	vadd.f32 v13, v0  }
0x51: {  	v5 =	vadd.f32 v14, v5;
	v9 =	vld [tilespmem:s29+$0x3850]  }
0x52: {  	v3 =	vadd.f32 v15, v3;
	v12 =	vld [tilespmem:s29+$0x3860];
	s29 =	sshra.s32 s30, $0x2;
	s30 =	sadd.s32 $0x200, s30  }
0x53: {  	v14 =	vld [tilespmem:s29+$0x3800]  }
0x54: {  	v15 =	vld [tilespmem:s29+$0x3810]  }
0x55: {  	v16 =	vld [tilespmem:s29+$0x3820]  }
0x56: {  	v17 =	vld [tilespmem:s29+$0x3830]  }
0x57: {  	v18 =	vld [tilespmem:s29+$0x3840]  }
0x58: {  	v1 =	vadd.f32 v11, v1;
	v59 =	vld [tilespmem:s29+$0x3850];
	v5 =	vadd.f32 v14, v5  }
0x59: {  	v13 =	vld [tilespmem:s29+$0x3870];
	v6 =	vadd.f32 v10, v6;
	v3 =	vadd.f32 v15, v3  }
0x5a: {  	v60 =	vld [tilespmem:s29+$0x3860];
	v7 =	vadd.f32 v7, v8;
	v1 =	vadd.f32 v16, v1;
	[tilespmem:$0xB800] =	vst v5  }
0x5b: {  	v4 =	vadd.f32 v9, v4;
	v61 =	vadd.f32 v17, v6;
	[tilespmem:$0xB810] =	vst v3  }
0x5c: {  	v62 =	vadd.f32 v18, v7;
	[tilespmem:$0xB820] =	vst v1  }
0x5d: {  	v2 =	vadd.f32 v12, v2;
	v63 =	vadd.f32 v59, v4;
	[tilespmem:$0xB830] =	vst v61  }
0x5e: {  	v0 =	vadd.f32 v13, v0;
	[tilespmem:$0xB840] =	vst v62  }
0x5f: {  	v2 =	vadd.f32 v60, v2;
	[tilespmem:$0xB850] =	vst v63  }
0x60: {  	[tilespmem:$0xB870] =	vst v0  }
0x61: {  	[tilespmem:$0xB860] =	vst v2  }
0x62: {  	v0 =	vld [tilespmem:s28+$0x1C00];
	_ =	sdelay $0x4  }
.Ltmp6:
0x63: {  	[tilespmem:$0xC000] =	vst v0;
	(pc) =	sbr.rel .LBB2_7-.Ltmp6, $4  }
0x64: {  	[spmem:s2] =	stream.indirect.scatter.add.f32 [tilespmem:s15], [sflag:$0x4], $0x80, s21, s20, $0xb8;
	[tilespmem:$0x1C080] =	vst v63  }
0x65: {  	_ =	swait.ge [sflag:s22], $0x800  }
0x66: {  	[sflag:s22] =	ssyncset.done $0x0  }
0x67: {  	[sflag:s22] =	ssyncadd.s32 $0xFFFFF800  }
.LBB2_6:
0x68: {  	s28 =	sadd.s32 $0x1C00, s28  }
0x69: {  	[spmem:s2] =	stream.indirect.scatter.add.f32 [tilespmem:s17], [sflag:$0x4], $0x80, s28, s16, $0xb8;
	[tilespmem:$0x1C080] =	vst v63  }
0x6a: {  	_ =	swait.ge [sflag:s22], $0x4000  }
0x6b: {  	[sflag:s22] =	ssyncset.done $0x0  }
0x6c: {  	[sflag:s22] =	ssyncadd.s32 $0xFFFFC000  }
.LBB2_7:
0x6d: {  	s28 =	sshll.u32 s25, $0x1  }
0x6e: {  	s28 =	smin.u32 s28, $0x2F  }
0x6f: {  	s28 =	sshll.u32 s28, $0x7  }
0x70: {  	s28 =	sadd.s32 $0x100, s28  }
0x71: {  	[tilespmem:s17], [sflag:$0x1] =	stream.indirect.gather [hbm4b:s4+s16], $0x80, s28, s16, $0xb8;
	[tilespmem:$0x1C080] =	vst v63  }
0x72: {  	_ =	swait.ge [sflag:s23], $0x4000  }
0x73: {  	[sflag:s23] =	ssyncset.done $0x0  }
0x74: {  	[sflag:s23] =	ssyncadd.s32 $0xFFFFC000  }
0x75: {  	v0 =	vld [tilespmem:s26+$0x1C00]  }
0x76: {  	v1 =	vld [tilespmem:s26+$0x1C70];
	_ =	sdelay $0x3  }
0x77: {  	(v2sf) =	vpush v0, $0x0  }
0x78: {  	(v2sf) =	vpush v1, $0xF;
	_ =	sdelay $0xd  }
0x79: {  	s30 =	spop (v2sf)  }
0x7a: {  	s29 =	spop (v2sf)  }
0x7b: {  	p0 =	sne.s32 s30, s29  }
.Ltmp7:
0x7c: {  	_ = 	snop;
	(pc) =	sbr.rel @p0 .LBB2_11-.Ltmp7, $1  }
0x7d: {  	_ =	sdelay $0x3  }
0x7e: {  	s30 =	simm.s32 $0x0  }
0x7f: {  	v0 =	vld [tilespmem:s30+$0x7870]  }
0x80: {  	v2 =	vld [tilespmem:s30+$0x7800]  }
0x81: {  	v3 =	vld [tilespmem:s30+$0x7810]  }
0x82: {  	v11 =	vld [tilespmem:s30+$0x7820]  }
0x83: {  	v10 =	vld [tilespmem:s30+$0x7830]  }
0x84: {  	v1 =	vimm.f32 $0.0e+00;
	v6 =	vimm.f32 $0.0e+00;
	v7 =	vld [tilespmem:s30+$0x7840]  }
0x85: {  	v8 =	vimm.f32 $0.0e+00;
	v4 =	vimm.f32 $0.0e+00;
	v9 =	vld [tilespmem:s30+$0x7850];
	v0 =	vadd.f32 v0, v1  }
0x86: {  	s28 =	simm.s32 $0x80;
	s29 =	simm.s32 $0x400;
	v12 =	vld [tilespmem:s30+$0x7860];
	v5 =	vadd.f32 v2, v1;
	v3 =	vadd.f32 v3, v1;
	v2 =	vimm.f32 $0.0e+00  }
.LBB2_9:
0x87: {  	p0 =	sne.s32 s29, $0xFE00;
	v13 =	vld [tilespmem:s28+$0x7870];
	v1 =	vadd.f32 v11, v1  }
0x88: {  	v14 =	vld [tilespmem:s28+$0x7800];
	v6 =	vadd.f32 v10, v6  }
0x89: {  	v15 =	vld [tilespmem:s28+$0x7810];
	v8 =	vadd.f32 v7, v8  }
.Ltmp8:
0x8a: {  	v11 =	vld [tilespmem:s28+$0x7820];
	v4 =	vadd.f32 v9, v4;
	(pc) =	sbr.rel @p0 .LBB2_9-.Ltmp8, $4  }
0x8b: {  	v10 =	vld [tilespmem:s28+$0x7830];
	v2 =	vadd.f32 v12, v2  }
0x8c: {  	v7 =	vld [tilespmem:s28+$0x7840];
	v0 =	vadd.f32 v13, v0  }
0x8d: {  	v5 =	vadd.f32 v14, v5;
	v9 =	vld [tilespmem:s28+$0x7850]  }
0x8e: {  	v3 =	vadd.f32 v15, v3;
	v12 =	vld [tilespmem:s28+$0x7860];
	s28 =	sshra.s32 s29, $0x2;
	s29 =	sadd.s32 $0x200, s29  }
0x8f: {  	v14 =	vld [tilespmem:s28+$0x7800]  }
0x90: {  	v15 =	vld [tilespmem:s28+$0x7810]  }
0x91: {  	v16 =	vld [tilespmem:s28+$0x7820]  }
0x92: {  	v17 =	vld [tilespmem:s28+$0x7830]  }
0x93: {  	v18 =	vld [tilespmem:s28+$0x7840]  }
0x94: {  	v1 =	vadd.f32 v11, v1;
	v59 =	vld [tilespmem:s28+$0x7850];
	v5 =	vadd.f32 v14, v5  }
0x95: {  	v13 =	vld [tilespmem:s28+$0x7870];
	v6 =	vadd.f32 v10, v6;
	v3 =	vadd.f32 v15, v3  }
0x96: {  	v60 =	vld [tilespmem:s28+$0x7860];
	v7 =	vadd.f32 v7, v8;
	v1 =	vadd.f32 v16, v1;
	[tilespmem:$0xB800] =	vst v5  }
0x97: {  	v4 =	vadd.f32 v9, v4;
	v61 =	vadd.f32 v17, v6;
	[tilespmem:$0xB810] =	vst v3  }
0x98: {  	v62 =	vadd.f32 v18, v7;
	[tilespmem:$0xB820] =	vst v1  }
0x99: {  	v2 =	vadd.f32 v12, v2;
	v63 =	vadd.f32 v59, v4;
	[tilespmem:$0xB830] =	vst v61  }
0x9a: {  	v0 =	vadd.f32 v13, v0;
	[tilespmem:$0xB840] =	vst v62  }
0x9b: {  	v2 =	vadd.f32 v60, v2;
	[tilespmem:$0xB850] =	vst v63  }
0x9c: {  	[tilespmem:$0xB870] =	vst v0  }
0x9d: {  	[tilespmem:$0xB860] =	vst v2  }
0x9e: {  	v0 =	vld [tilespmem:s26+$0x1C00];
	_ =	sdelay $0x4  }
.Ltmp9:
0x9f: {  	[tilespmem:$0xC000] =	vst v0;
	(pc) =	sbr.rel .LBB2_12-.Ltmp9, $4  }
0xa0: {  	[spmem:s2] =	stream.indirect.scatter.add.f32 [tilespmem:s15], [sflag:$0x4], $0x80, s21, s20, $0xb8;
	[tilespmem:$0x1C080] =	vst v63  }
0xa1: {  	_ =	swait.ge [sflag:s22], $0x800  }
0xa2: {  	[sflag:s22] =	ssyncset.done $0x0  }
0xa3: {  	[sflag:s22] =	ssyncadd.s32 $0xFFFFF800  }
.LBB2_14:
0xa4: {  	_ =	sfence.sel $0x180000  }
0xa5: {  	[bflag:$0x0] =	sbarrier.arrive $0xFFFF  }
0xa6: {  	p0 =	sne.s32 s0, $0x0;
	_ =	strace $0x9000004A  }
0xa7: {  	s0 =	sadd.s32 @!p0 $0x100000, s1;
	[bflag:$0x2] =	sbarrier.arrive $0xFFFF  }
0xa8: {  	[sflag:s0] =	ssyncadd.tile.s32 @!p0 $0x1;
	_ =	shalt  }
.Lfunc_end2:
_tile_overlayer_lowered:
.L_overlay_start_2:
0xa9: {  	(tag) =	ssettag $0x2  }
0xaa: {  	s0 =	rddreg [dreg:$0x0];
	s2 =	stileid.u32  }
0xab: {  	s1 =	rddreg [dreg:$0x1];
	p0 =	sne.s32 s2, $0x0  }
0xac: {  	s3 =	rddreg [dreg:$0x2];
	[bflag:$0x3] =	sbarrier.arrive $0xFFFF;
	s2 =	simm.s32 @!p0 $0x1C03  }
0xad: {  	[timem:s3], [sflag:s2] =	dma.local @!p0 [hbm:s0], s1  }
0xae: {  	s0 =	simm.s32 @!p0 $0x3  }
0xaf: {  	_ =	swait.ge @!p0 [sflag:s0], s1  }
0xb0: {  	s1 =	ssub.s32 @!p0 $0x0, s1;
	[sflag:s0] =	ssyncset.done @!p0 $0x0  }
0xb1: {  	[sflag:s0] =	ssyncadd.s32 @!p0 s1  }
0xb2: {  	[bflag:$0x3] =	sbarrier.arrive $0xFFFF  }
0xb3: {  	_ =	shalt  }

// kernel: scatter_offload_async_start
scs
__scs_entry_jumppad:
0x0: {  	(pc) =	sbr.rel $0x88, $3  }
0x1: {  	(tag) =	ssettag $0x0;
	lr =	simm.s32 $0x1  }
0x2: {  	[smem:$0x3F9A] =	sst lr;
	_ =	strace $0xD0000000  }
0x3: {  	_ = 	snop  }
0x4: {  	_ = 	snop  }
0x5: {  	_ = 	snop  }
0x6: {  	_ = 	snop  }
0x7: {  	_ = 	snop  }
__scs_overlays_trampoline_lowered:
0x8: {  	[smem:$0x3FA9] =	sst s0  }
0x9: {  	[smem:$0x3FAA] =	sst s1  }
0xa: {  	[smem:$0x3FAB] =	sst s2  }
0xb: {  	[smem:$0x3FAC] =	sst s3  }
0xc: {  	[smem:$0x3FAD] =	sst s4  }
0xd: {  	[smem:$0x3FAE] =	sst s5  }
0xe: {  	[smem:$0x3FAF] =	sst s6  }
0xf: {  	[smem:$0x3FB0] =	sst s7  }
0x10: {  	[smem:$0x3FB1] =	sst s8  }
0x11: {  	[smem:$0x3FB2] =	sst s9;
	s0 =	simm.s32 @!p0 $0x0  }
0x12: {  	s1 =	sld [smem:$0x3F98];
	s0 =	simm.s32 @p0 $0x1  }
0x13: {  	[smem:$0x3FB3] =	sst s0;
	s0 =	simm.s32 @!p1 $0x0  }
0x14: {  	s2 =	sld [smem:$0x3F97];
	s0 =	simm.s32 @p1 $0x1  }
0x15: {  	[smem:$0x3FB4] =	sst s0;
	s0 =	simm.s32 @!p2 $0x0  }
0x16: {  	s3 =	sld [smem:$0x3FDB];
	s0 =	simm.s32 @p2 $0x1  }
0x17: {  	s4 =	simm.s32 $0x1BF5;
	[smem:$0x3FB6] =	sst s0  }
0x18: {  	s0 =	sld [smem:$0x3F99];
	_ =	swait.ge [sflag:s4], $0x0  }
0x19: {  	s7 =	sld [smem:$0x3F9A]  }
0x1a: {  	s8 =	sadd.s32 $0xFFFFE003, lr  }
0x1b: {  	s9 =	sadd.s32 $0xFFFFFEF7, lr;
	s5 =	simm.s32 $0xFFFFFFFF;
	p2 =	slt.u32 s8, $0xFFFFF086  }
0x1c: {  	p1 =	slt.u32 s9, $0xF7A;
	s5 =	simm.s32 @!p2 $0x0  }
0x1d: {  	s5 =	simm.s32 @p1 $0x1;
	p0 =	seq.s32 s7, s2  }
0x1e: {  	s7 =	smul.u32 @!p0 $0xF7A, s2;
	p2 =	seq.s32 @!p0 s5, $0x0  }
0x1f: {  	s9 =	smul.u32 $0xF7A, s1;
	s8 =	simm.s32 @!p0 $0x1BF5;
	p2 =	por !p2, p0  }
0x20: {  	[sflag:s8] =	ssyncset.s32 @!p0 $0xFFFFF086;
	s6 =	sadd.s32 @!p0 s3, s7;
	s7 =	simm.s32 @!p0 $0x108  }
0x21: {  	s3 =	sadd.s32 s3, s9;
	s6 =	sadd.s32 @!p0 $0x88, s6;
	s7 =	simm.s32 @p2 $0x1082  }
0x22: {  	[simem:s7], [sflag:s8] =	dma.local @!p0 [hbm:s6], $0xF7A  }
0x23: {  	s9 =	sor.u32 $0xD0000000, s2;
	s6 =	simm.s32 $0x108;
	_ =	swait.ge @!p0 [sflag:s8], $0x0  }
0x24: {  	s3 =	sadd.s32 $0x88, s3;
	s6 =	simm.s32 @!p1 $0x1082;
	[sflag:s4] =	ssyncset.s32 $0xFFFFF086  }
0x25: {  	[simem:s6], [sflag:s4] =	dma.local [hbm:s3], $0xF7A  }
0x26: {  	[smem:$0x3F9A] =	sst s1;
	(tag) =	ssettag s2;
	_ =	strace s9  }
0x27: {  	s1 =	sld [smem:$0x3FAA]  }
0x28: {  	s2 =	sld [smem:$0x3FAB]  }
0x29: {  	s4 =	sld [smem:$0x3FAD]  }
0x2a: {  	p0 =	seq.s32 s5, $0x0;
	s5 =	sld [smem:$0x3FAE]  }
0x2b: {  	s6 =	sld [smem:$0x3FAF]  }
0x2c: {  	s7 =	sld [smem:$0x3FB0]  }
0x2d: {  	s3 =	simm.s32 $0x108;
	s8 =	sld [smem:$0x3FB1]  }
0x2e: {  	s3 =	simm.s32 @!p0 $0x1082;
	s9 =	sld [smem:$0x3FB2]  }
0x2f: {  	lr =	sadd.s32 s0, s3;
	s0 =	sld [smem:$0x3FA9]  }
0x30: {  	s3 =	sld [smem:$0x3FAC]  }
0x31: {  	[smem:$0x3FB5] =	sst s10  }
0x32: {  	s10 =	sld [smem:$0x3FB3];
	_ =	sdelay $0x3  }
0x33: {  	p0 =	seq.s32 s10, $0x1;
	s10 =	sld [smem:$0x3FB5];
	_ =	sdelay $0x3  }
0x34: {  	[smem:$0x3FB5] =	sst s10  }
0x35: {  	s10 =	sld [smem:$0x3FB4];
	_ =	sdelay $0x3  }
0x36: {  	p1 =	seq.s32 s10, $0x1;
	s10 =	sld [smem:$0x3FB5];
	_ =	sdelay $0x3  }
0x37: {  	[smem:$0x3FB5] =	sst s10  }
0x38: {  	s10 =	sld [smem:$0x3FB6]  }
0x39: {  	_ = 	snop;
	(pc) =	sbr.ind lr, $3  }
0x3a: {  	_ = 	snop  }
0x3b: {  	_ = 	snop  }
0x3c: {  	p2 =	seq.s32 s10, $0x1;
	s10 =	sld [smem:$0x3FB5]  }
0x3d: {  	_ =	shalt  }
0x3e: {  	_ =	shalt  }
0x3f: {  	_ =	shalt  }
0x40: {  	_ =	shalt  }
0x41: {  	_ =	shalt  }
0x42: {  	_ =	shalt  }
0x43: {  	_ =	shalt  }
0x44: {  	_ =	shalt  }
0x45: {  	_ =	shalt  }
0x46: {  	_ =	shalt  }
0x47: {  	_ =	shalt  }
0x48: {  	_ =	shalt  }
0x49: {  	_ =	shalt  }
0x4a: {  	_ =	shalt  }
0x4b: {  	_ =	shalt  }
0x4c: {  	_ =	shalt  }
0x4d: {  	_ =	shalt  }
0x4e: {  	_ =	shalt  }
0x4f: {  	_ =	shalt  }
0x50: {  	_ =	shalt  }
0x51: {  	_ =	shalt  }
0x52: {  	_ =	shalt  }
0x53: {  	_ =	shalt  }
0x54: {  	_ =	shalt  }
0x55: {  	_ =	shalt  }
0x56: {  	_ =	shalt  }
0x57: {  	_ =	shalt  }
0x58: {  	_ =	shalt  }
0x59: {  	_ =	shalt  }
0x5a: {  	_ =	shalt  }
0x5b: {  	_ =	shalt  }
0x5c: {  	_ =	shalt  }
0x5d: {  	_ =	shalt  }
0x5e: {  	_ =	shalt  }
0x5f: {  	_ =	shalt  }
0x60: {  	_ =	shalt  }
0x61: {  	_ =	shalt  }
0x62: {  	_ =	shalt  }
0x63: {  	_ =	shalt  }
0x64: {  	_ =	shalt  }
0x65: {  	_ =	shalt  }
0x66: {  	_ =	shalt  }
0x67: {  	_ =	shalt  }
0x68: {  	_ =	shalt  }
0x69: {  	_ =	shalt  }
0x6a: {  	_ =	shalt  }
0x6b: {  	_ =	shalt  }
0x6c: {  	_ =	shalt  }
0x6d: {  	_ =	shalt  }
0x6e: {  	_ =	shalt  }
0x6f: {  	_ =	shalt  }
0x70: {  	_ =	shalt  }
0x71: {  	_ =	shalt  }
0x72: {  	_ =	shalt  }
0x73: {  	_ =	shalt  }
0x74: {  	_ =	shalt  }
0x75: {  	_ =	shalt  }
0x76: {  	_ =	shalt  }
0x77: {  	_ =	shalt  }
0x78: {  	_ =	shalt  }
0x79: {  	_ =	shalt  }
0x7a: {  	_ =	shalt  }
0x7b: {  	_ =	shalt  }
0x7c: {  	_ =	shalt  }
0x7d: {  	_ =	shalt  }
0x7e: {  	_ =	shalt  }
0x7f: {  	_ =	shalt  }
0x80: {  	_ =	shalt  }
0x81: {  	_ =	shalt  }
0x82: {  	_ =	shalt  }
0x83: {  	_ =	shalt  }
0x84: {  	_ =	shalt  }
0x85: {  	_ =	shalt  }
0x86: {  	_ =	shalt  }
0x87: {  	_ =	shalt  }
.Lfunc_end0:
.L_simem_size_0:
called_computation_lowered:
.L_overlay_start_0:
0x88: {  	s0 =	sld [smem:$0x3FD9]  }
0x89: {  	s1 =	sld [smem:$0x3FFE];
	_ =	sdelay $0x3  }
0x8a: {  	s0 =	sadd.s32 s1, s0  }
0x8b: {  	[smem:$0x3FC1] =	sst s0  }
0x8c: {  	_ = 	snop  }
0x8d: {  	(tm) =	ssettm $0x1  }
0x8e: {  	s15 =	sld [smem:$0x3FFB];
	_ =	sdelay $0x3  }
0x8f: {  	_ =	strace s15  }
0x90: {  	s0 =	sld [smem:$0x3FFC];
	_ =	sdelay $0x3  }
0x91: {  	_ =	strace s0  }
0x92: {  	s0 =	sld [smem:$0x3FFD];
	_ =	sdelay $0x3  }
0x93: {  	_ =	strace s0  }
0x94: {  	_ =	strace $0x8FFFFFFF  }
0x95: {  	s16 =	sld [smem:$0x3FDB];
	_ =	sdelay $0x1  }
0x96: {  	s17 =	simm.s32 $_scs_section_size  }
0x97: {  	s2 =	simm.s32 $_size__tile_overlayer_lowered;
	s3 =	simm.s32 $_tile_overlayer_lowered  }
0x98: {  	s20 =	simm.s32 $0x1BFF;
	s19 =	sshll.u32 s3, $0x1;
	s0 =	sadd.s32 s17, s16  }
0x99: {  	s4 =	simm.s32 $0x0;
	s18 =	sshll.u32 s2, $0x1;
	s2 =	sadd.s32 s19, s0  }
0x9a: {  	[timem:s4], [sflag:s20] =	dma.local [hbm:s2], s18  }
0x9b: {  	_ =	swait.ge [sflag:s20], s18  }
0x9c: {  	s1 =	ssub.s32 $0x0, s18;
	[sflag:s20] =	ssyncset.done $0x0  }
0x9d: {  	[sflag:s20] =	ssyncadd.s32 s1;
	_ =	sdelay $0x1  }
0x9e: {  	s21 =	simm.s32 $0x1B8B  }
0x9f: {  	_ =	swait.ge [sflag:s21], $0x1  }
0xa0: {  	[sflag:s21] =	ssyncset.done $0x0  }
0xa1: {  	s23 =	simm.s32 $0x1B8E;
	s22 =	sld [smem:$0x3FFE];
	[sflag:s21] =	ssyncadd.s32 $0xFFFFFFFF  }
0xa2: {  	s24 =	simm.s32 $execute0_lowered;
	[smem:$0x3FD2] =	sst s23  }
0xa3: {  	s2 =	sshll.u32 s24, $0x1;
	_ =	strace $0x80000046;
	[dreg:$0x1] =	wrdreg $0xFFFFFFFF  }
0xa4: {  	s25 =	simm.s32 $_size_execute0_lowered;
	s0 =	sadd.s32 s0, s2;
	[dreg:$0x0] =	wrdreg $0x0  }
0xa5: {  	s2 =	sshll.u32 s25, $0x1;
	[dreg:$0x2] =	wrdreg s0  }
0xa6: {  	[dreg:$0x3] =	wrdreg s2  }
0xa7: {  	[dreg:$0x4] =	wrdreg $0xC0  }
0xa8: {  	_ =	task [dreg:s4], $0x5FFFF  }
0xa9: {  	[dreg:$0x1] =	wrdreg $0xFFFFFFFF  }
0xaa: {  	[dreg:$0x0] =	wrdreg $0x60  }
0xab: {  	[dreg:$0x2] =	wrdreg s22  }
0xac: {  	[dreg:$0x3] =	wrdreg $0x9  }
0xad: {  	_ =	task.clear_ibuf [dreg:s4], $0x4FFFF;
	_ =	strace $0x90000046  }
0xae: {  	s26 =	simm.s32 $0x9;
	_ =	strace $0x80000048  }
0xaf: {  	_ =	swait.ge [sflag:s26], $0x1  }
0xb0: {  	[sflag:s26] =	ssyncadd.s32 $0xFFFFFFFF  }
0xb1: {  	_ =	strace $0x90000048  }
0xb2: {  	_ =	sfence  }
0xb3: {  	s28 =	sld [smem:$0x0];
	_ =	sdelay $0x1  }
0xb4: {  	s29 =	srdreg.scid  }
0xb5: {  	s30 =	sshll.u32 s29, $0xD;
	s31 =	sshrl.u32 s29, $0x2  }
0xb6: {  	s1 =	sand.u32 $0x1, s29;
	s2 =	sand.u32 $0x4000, s30;
	s0 =	sadd.s32 s31, s28  }
0xb7: {  	s1 =	sor.u32 s2, s1;
	s0 =	sshll.u32 s0, $0x11  }
0xb8: {  	s0 =	sor.u32 s0, s1  }
0xb9: {  	s0 =	sadd.s32 $0x8F2B, s0  }
0xba: {  	[sflag:s0] =	ssyncadd.remote.s32 $0x1  }
0xbb: {  	_ =	sfence.sel $0xFFFF  }
0xbc: {  	[dreg:$0x0] =	wrdreg $0xFFFFFFFF;
	(pc) =	sbr.abs _section_cstart, $3  }
0xbd: {  	[dreg:$0x1] =	wrdreg $0xFFFFFFFF  }
0xbe: {  	_ =	task.clear_ibuf [dreg:s4], $0x2FFFF;
	_ =	strace $0x9FFFFFFF  }
0xbf: {  	(tm) =	ssettm $0x7FFFFFFF  }
tec
execute0_lowered:
.L_overlay_start_1:
0x0: {  	(tag) =	ssettag $0x1  }
0x1: {  	s5 =	rddreg [dreg:$0x0]  }
0x2: {  	s0 =	rddreg [dreg:$0x1];
	_ =	strace $0x80000047;
	s6 =	stileid.u32  }
0x3: {  	s3 =	simm.s32 $0x3E;
	s1 =	sadd.s32 $0x1A00, s5;
	p0 =	sne.s32 s6, $0x0  }
0x4: {  	[sflag:s3] =	ssyncpa.u1 $0x0;
	s4 =	simm.s32 @!p0 $0x1C3E;
	s2 =	simm.s32 @!p0 $0x0  }
0x5: {  	[spmem:s2], [sflag:s4] =	dma.local @!p0 [hbm:s1], $0x6400  }
0x6: {  	s4 =	simm.s32 @!p0 $0x3E  }
0x7: {  	_ =	swait.ge @!p0 [sflag:s4], $0x6400  }
0x8: {  	[sflag:s4] =	ssyncset.done @!p0 $0x0  }
0x9: {  	s9 =	simm.s32 $0x3300;
	[sflag:s4] =	ssyncadd.s32 @!p0 $0xFFFF9C00  }
0xa: {  	s7 =	sadd.s32 $0x1800, s5;
	s8 =	sadd.s32 $0x7E00, s5;
	[bflag:$0x0] =	sbarrier.arrive $0xFFFF  }
0xb: {  	s6 =	sshll.u32 s6, $0x5;
	[sflag:s3] =	ssyncpa.u1 $0x1;
	s3 =	simm.s32 $0x1  }
0xc: {  	s5 =	simm.s32 $0x0;
	s4 =	simm.s32 $0x2;
	[sflag:s3] =	ssyncpa.u1 $0x0  }
0xd: {  	s7 =	sadd.s32 s7, s6;
	(ifvalue) =	ssetifvalue $0x32000;
	[sflag:s4] =	ssyncpa.u1 $0x0  }
0xe: {  	[tilespmem:s9], [sflag:$0x2] =	stream.linear.gather [hbm4b:s7+s5], $0x100, $0x38;
	[tilespmem:$0x3600] =	vst v63  }
0xf: {  	s23 =	simm.s32 $0x3500;
	s6 =	sadd.s32 s8, s6  }
0x10: {  	[tilespmem:s23], [sflag:$0x2] =	stream.linear.gather [hbm4b:s6+s5], $0x100, $0x38;
	[tilespmem:$0x3600] =	vst v63  }
0x11: {  	_ =	swait.ge [sflag:s4], $0x200  }
0x12: {  	[sflag:s4] =	ssyncset.done $0x0  }
0x13: {  	[sflag:s4] =	ssyncadd.s32 $0xFFFFFE00  }
0x14: {  	v0 =	vld.msk [tilespmem:s9+$0x0 ss:$0x1], $0xffff;
	_ =	sdelay $0x4  }
0x15: {  	v0 =	vmin.u32 v0, $0x32000;
	_ =	sdelay $0x3  }
0x16: {  	vm0 =	vmmov $0xffff;
	s24 =	simm.s32 $0x3310  }
0x17: {  	[spmem:s5] =	stream.indirect_vreg.scatter.add.s32 [tilespmem:s23], [sflag:$0x1], $0x1, v0, vm0, $0x4038;
	[tilespmem:$0x3600] =	vst v63  }
0x18: {  	v0 =	vld.msk [tilespmem:s24+$0x0 ss:$0x1], $0xffff;
	_ =	sdelay $0x4  }
0x19: {  	v0 =	vmin.u32 v0, $0x32000;
	_ =	sdelay $0x3  }
0x1a: {  	s25 =	simm.s32 $0x3510;
	s26 =	simm.s32 $0x3320  }
0x1b: {  	[spmem:s5] =	stream.indirect_vreg.scatter.add.s32 [tilespmem:s25], [sflag:$0x1], $0x1, v0, vm0, $0x4038;
	[tilespmem:$0x3600] =	vst v63  }
0x1c: {  	v0 =	vld.msk [tilespmem:s26+$0x0 ss:$0x1], $0xffff;
	_ =	sdelay $0x4  }
0x1d: {  	v0 =	vmin.u32 v0, $0x32000;
	_ =	sdelay $0x3  }
0x1e: {  	s28 =	simm.s32 $0x3520;
	s29 =	simm.s32 $0x3330  }
0x1f: {  	[spmem:s5] =	stream.indirect_vreg.scatter.add.s32 [tilespmem:s28], [sflag:$0x1], $0x1, v0, vm0, $0x4038;
	[tilespmem:$0x3600] =	vst v63  }
0x20: {  	v0 =	vld.msk [tilespmem:s29+$0x0 ss:$0x1], $0xffff;
	_ =	sdelay $0x4  }
0x21: {  	v0 =	vmin.u32 v0, $0x32000;
	_ =	sdelay $0x3  }
0x22: {  	s30 =	simm.s32 $0x3530;
	s31 =	simm.s32 $0x3340  }
0x23: {  	[spmem:s5] =	stream.indirect_vreg.scatter.add.s32 [tilespmem:s30], [sflag:$0x1], $0x1, v0, vm0, $0x4038;
	[tilespmem:$0x3600] =	vst v63  }
0x24: {  	v0 =	vld.msk [tilespmem:s31+$0x0 ss:$0x1], $0xffff;
	_ =	sdelay $0x4  }
0x25: {  	v0 =	vmin.u32 v0, $0x32000;
	_ =	sdelay $0x3  }
0x26: {  	s8 =	simm.s32 $0x3350;
	s7 =	simm.s32 $0x3540  }
0x27: {  	[spmem:s5] =	stream.indirect_vreg.scatter.add.s32 [tilespmem:s7], [sflag:$0x1], $0x1, v0, vm0, $0x4038;
	[tilespmem:$0x3600] =	vst v63  }
0x28: {  	v0 =	vld.msk [tilespmem:s8+$0x0 ss:$0x1], $0xffff;
	_ =	sdelay $0x4  }
0x29: {  	v0 =	vmin.u32 v0, $0x32000;
	_ =	sdelay $0x3  }
0x2a: {  	s10 =	simm.s32 $0x3360;
	s9 =	simm.s32 $0x3550  }
0x2b: {  	[spmem:s5] =	stream.indirect_vreg.scatter.add.s32 [tilespmem:s9], [sflag:$0x1], $0x1, v0, vm0, $0x4038;
	[tilespmem:$0x3600] =	vst v63  }
0x2c: {  	v0 =	vld.msk [tilespmem:s10+$0x0 ss:$0x1], $0xffff;
	_ =	sdelay $0x4  }
0x2d: {  	v0 =	vmin.u32 v0, $0x32000;
	_ =	sdelay $0x3  }
0x2e: {  	s11 =	simm.s32 $0x3560;
	s12 =	simm.s32 $0x3370  }
0x2f: {  	[spmem:s5] =	stream.indirect_vreg.scatter.add.s32 [tilespmem:s11], [sflag:$0x1], $0x1, v0, vm0, $0x4038;
	[tilespmem:$0x3600] =	vst v63  }
0x30: {  	v0 =	vld.msk [tilespmem:s12+$0x0 ss:$0x1], $0xffff;
	_ =	sdelay $0x4  }
0x31: {  	v0 =	vmin.u32 v0, $0x32000;
	_ =	sdelay $0x3  }
0x32: {  	s13 =	simm.s32 $0x3570;
	s14 =	simm.s32 $0x3380  }
0x33: {  	[spmem:s5] =	stream.indirect_vreg.scatter.add.s32 [tilespmem:s13], [sflag:$0x1], $0x1, v0, vm0, $0x4038;
	[tilespmem:$0x3600] =	vst v63  }
0x34: {  	v0 =	vld.msk [tilespmem:s14+$0x0 ss:$0x1], $0xffff;
	_ =	sdelay $0x4  }
0x35: {  	v0 =	vmin.u32 v0, $0x32000;
	_ =	sdelay $0x3  }
0x36: {  	s15 =	simm.s32 $0x3580;
	s16 =	simm.s32 $0x3390  }
0x37: {  	[spmem:s5] =	stream.indirect_vreg.scatter.add.s32 [tilespmem:s15], [sflag:$0x1], $0x1, v0, vm0, $0x4038;
	[tilespmem:$0x3600] =	vst v63  }
0x38: {  	v0 =	vld.msk [tilespmem:s16+$0x0 ss:$0x1], $0xffff;
	_ =	sdelay $0x4  }
0x39: {  	v0 =	vmin.u32 v0, $0x32000;
	_ =	sdelay $0x3  }
0x3a: {  	s17 =	simm.s32 $0x3590;
	s18 =	simm.s32 $0x33A0  }
0x3b: {  	[spmem:s5] =	stream.indirect_vreg.scatter.add.s32 [tilespmem:s17], [sflag:$0x1], $0x1, v0, vm0, $0x4038;
	[tilespmem:$0x3600] =	vst v63  }
0x3c: {  	v0 =	vld.msk [tilespmem:s18+$0x0 ss:$0x1], $0xffff;
	_ =	sdelay $0x4  }
0x3d: {  	v0 =	vmin.u32 v0, $0x32000;
	_ =	sdelay $0x3  }
0x3e: {  	s19 =	simm.s32 $0x35A0;
	s20 =	simm.s32 $0x33B0  }
0x3f: {  	[spmem:s5] =	stream.indirect_vreg.scatter.add.s32 [tilespmem:s19], [sflag:$0x1], $0x1, v0, vm0, $0x4038;
	[tilespmem:$0x3600] =	vst v63  }
0x40: {  	v0 =	vld.msk [tilespmem:s20+$0x0 ss:$0x1], $0xffff;
	_ =	sdelay $0x4  }
0x41: {  	v0 =	vmin.u32 v0, $0x32000;
	_ =	sdelay $0x3  }
0x42: {  	s21 =	simm.s32 $0x35B0;
	s22 =	simm.s32 $0x33C0  }
0x43: {  	[spmem:s5] =	stream.indirect_vreg.scatter.add.s32 [tilespmem:s21], [sflag:$0x1], $0x1, v0, vm0, $0x4038;
	[tilespmem:$0x3600] =	vst v63  }
0x44: {  	v0 =	vld.msk [tilespmem:s22+$0x0 ss:$0x1], $0xffff;
	_ =	sdelay $0x4  }
0x45: {  	v0 =	vmin.u32 v0, $0x32000;
	_ =	sdelay $0x3  }
0x46: {  	s23 =	simm.s32 $0x35C0;
	s24 =	simm.s32 $0x33D0  }
0x47: {  	[spmem:s5] =	stream.indirect_vreg.scatter.add.s32 [tilespmem:s23], [sflag:$0x1], $0x1, v0, vm0, $0x4038;
	[tilespmem:$0x3600] =	vst v63  }
0x48: {  	v0 =	vld.msk [tilespmem:s24+$0x0 ss:$0x1], $0xffff;
	_ =	sdelay $0x4  }
0x49: {  	v0 =	vmin.u32 v0, $0x32000;
	_ =	sdelay $0x3  }
0x4a: {  	s25 =	simm.s32 $0x35D0;
	s26 =	simm.s32 $0x33E0  }
0x4b: {  	[spmem:s5] =	stream.indirect_vreg.scatter.add.s32 [tilespmem:s25], [sflag:$0x1], $0x1, v0, vm0, $0x4038;
	[tilespmem:$0x3600] =	vst v63  }
0x4c: {  	v0 =	vld.msk [tilespmem:s26+$0x0 ss:$0x1], $0xffff;
	_ =	sdelay $0x4  }
0x4d: {  	v0 =	vmin.u32 v0, $0x32000;
	_ =	sdelay $0x3  }
0x4e: {  	s28 =	simm.s32 $0x35E0;
	s29 =	simm.s32 $0x33F0  }
0x4f: {  	[spmem:s5] =	stream.indirect_vreg.scatter.add.s32 [tilespmem:s28], [sflag:$0x1], $0x1, v0, vm0, $0x4038;
	[tilespmem:$0x3600] =	vst v63  }
0x50: {  	v0 =	vld.msk [tilespmem:s29+$0x0 ss:$0x1], $0xffff;
	_ =	sdelay $0x4  }
0x51: {  	v0 =	vmin.u32 v0, $0x32000;
	_ =	sdelay $0x3  }
0x52: {  	s30 =	simm.s32 $0x35F0  }
0x53: {  	[spmem:s5] =	stream.indirect_vreg.scatter.add.s32 [tilespmem:s30], [sflag:$0x1], $0x1, v0, vm0, $0x4038;
	[tilespmem:$0x3600] =	vst v63  }
0x54: {  	_ =	swait.ge [sflag:s3], $0x100  }
0x55: {  	[sflag:s3] =	ssyncset.done $0x0  }
0x56: {  	[sflag:s3] =	ssyncadd.s32 $0xFFFFFF00  }
0x57: {  	_ =	sfence.sel $0x180000  }
0x58: {  	[bflag:$0x0] =	sbarrier.arrive $0xFFFF  }
0x59: {  	[sflag:s4] =	ssyncpa.u1 $0x1  }
0x5a: {  	[sflag:s3] =	ssyncpa.u1 $0x1  }
0x5b: {  	_ =	sfence.stream.spmem  }
0x5c: {  	s31 =	simm.s32 $0x3D;
	[bflag:$0x0] =	sbarrier.arrive $0xFFFF  }
0x5d: {  	s3 =	simm.s32 @p0 $0x3D;
	[sflag:s31] =	ssyncpa.u1 $0x0  }
0x5e: {  	[sflag:s3] =	ssyncpa.u1 @p0 $0x1  }
0x5f: {  	[bflag:$0x0] =	sbarrier.arrive @p0 $0xFFFF  }
0x60: {  	_ =	strace @p0 $0x90000047  }
0x61: {  	s3 =	simm.s32 @!p0 $0x1C3D;
	[bflag:$0x2] =	sbarrier.arrive @p0 $0xFFFF  }
0x62: {  	[hbm:s1], [sflag:s3] =	dma.local @!p0 [spmem:s2], $0x6400  }
0x63: {  	s1 =	simm.s32 @!p0 $0x3D  }
0x64: {  	_ =	swait.ge @!p0 [sflag:s1], $0x6400  }
0x65: {  	[sflag:s1] =	ssyncset.done @!p0 $0x0  }
0x66: {  	[sflag:s1] =	ssyncadd.s32 @!p0 $0xFFFF9C00  }
0x67: {  	[sflag:s1] =	ssyncpa.u1 @!p0 $0x1  }
0x68: {  	[bflag:$0x0] =	sbarrier.arrive @!p0 $0xFFFF  }
0x69: {  	_ =	strace @!p0 $0x90000047  }
0x6a: {  	s0 =	sadd.s32 @!p0 $0x100000, s0;
	[bflag:$0x2] =	sbarrier.arrive @!p0 $0xFFFF  }
0x6b: {  	[sflag:s0] =	ssyncadd.tile.s32 @!p0 $0x1;
	_ =	shalt  }
.Lfunc_end2:
_tile_overlayer_lowered:
.L_overlay_start_2:
0x6c: {  	(tag) =	ssettag $0x2  }
0x6d: {  	s0 =	rddreg [dreg:$0x0];
	s2 =	stileid.u32  }
0x6e: {  	s1 =	rddreg [dreg:$0x1];
	p0 =	sne.s32 s2, $0x0  }
0x6f: {  	s3 =	rddreg [dreg:$0x2];
	[bflag:$0x3] =	sbarrier.arrive $0xFFFF;
	s2 =	simm.s32 @!p0 $0x1C01  }
0x70: {  	[timem:s3], [sflag:s2] =	dma.local @!p0 [hbm:s0], s1  }
0x71: {  	s0 =	simm.s32 @!p0 $0x1  }
0x72: {  	_ =	swait.ge @!p0 [sflag:s0], s1  }
0x73: {  	s1 =	ssub.s32 @!p0 $0x0, s1;
	[sflag:s0] =	ssyncset.done @!p0 $0x0  }
0x74: {  	[sflag:s0] =	ssyncadd.s32 @!p0 s1  }
0x75: {  	[bflag:$0x3] =	sbarrier.arrive $0xFFFF  }
0x76: {  	_ =	shalt  }

</sc_bundles>
